<compile_context>
chip_gen: v7x
topology: tpu7x:2x2x1
jax: 0.10.2.dev20260603
libtpu: 0.0.44.dev20260713+nightly
codegen_flags: <defaults>
</compile_context>

<pallas_src>
import functools

import jax
import jax.numpy as jnp
from jax import lax
from jax.experimental import pallas as pl
from jax.experimental.pallas import tpu as pltpu
from jax.experimental.pallas import tpu_sc as plsc

E = 6_400_000
G = 4096
NC = 2
NS = 16
NW = NC * NS
EPW = E // NW
NBUF = 4
CHUNK = 5_000
NCHUNK = EPW // CHUNK
L = 16
VPC = CHUNK // L

_F32 = jnp.float32
_I32 = jnp.int32


def _sc_partials(distance, eps_ct, lam_ct, r_star, edge_batch):
    mesh = plsc.VectorSubcoreMesh(core_axis_name="c", subcore_axis_name="s")

    buf_types = [
        pltpu.VMEM((CHUNK,), dt)
        for _ in range(NBUF)
        for dt in (_F32, _F32, _F32, _F32, _I32)
    ]

    @functools.partial(
        pl.kernel,
        mesh=mesh,
        out_type=jax.ShapeDtypeStruct((NW, G), _F32),
        compiler_params=pltpu.CompilerParams(needs_layout_passes=False),
        scratch_types=buf_types + [pltpu.VMEM((G,), _F32)]
        + [pltpu.SemaphoreType.DMA] * NBUF,
    )
    def k(*refs):
        hbms = refs[0:5]
        out_hbm = refs[5]
        bufs = tuple(refs[6 + 5 * i:11 + 5 * i] for i in range(NBUF))
        acc = refs[6 + 5 * NBUF]
        sems = refs[7 + 5 * NBUF:7 + 5 * NBUF + NBUF]
        cid = lax.axis_index("c")
        sid = lax.axis_index("s")
        wid = cid * NS + sid

        base = wid * EPW
        lane = lax.iota(_I32, L)
        shift = jnp.minimum(lane + 1, L - 1)
        is_last = lane == (L - 1)

        def issue(ci, slot):
            start = base + ci * CHUNK
            for hbm, buf in zip(hbms, bufs[slot]):
                pltpu.async_copy(hbm.at[pl.ds(start, CHUNK)], buf, sems[slot])

        def drain(slot):
            src = pl.ds(0, CHUNK)
            for hbm, buf in zip(hbms, bufs[slot]):
                pltpu.make_async_copy(hbm.at[src], buf, sems[slot]).wait()

        def do_vec(slot, o):
            d_v, ep_v, lm_v, rs_v, b_v = bufs[slot]
            d = d_v[pl.ds(o, L)]
            ep = ep_v[pl.ds(o, L)]
            lm = lm_v[pl.ds(o, L)]
            rs = rs_v[pl.ds(o, L)]
            ib = b_v[pl.ds(o, L)]
            r = jnp.maximum(d, 1e-6)
            t = 1.0 / r
            ratio = lm * jnp.maximum(rs, 1e-6) * t
            t2 = t * t
            r3 = ratio * ratio * ratio
            pe = (0.5 * ep) * (t2 * t2) * jnp.exp(-r3)
            s = plsc.cumsum(pe)
            ib_next = jnp.take_along_axis(ib, shift, axis=0)
            is_bnd = ib != ib_next
            plsc.addupdate_scatter(acc, [ib], s, mask=is_bnd | is_last)
            plsc.addupdate_scatter(acc, [ib_next], -s, mask=is_bnd)

        def compute(slot):
            @plsc.parallel_loop(0, VPC, 1, unroll=8)
            def _(vi):
                do_vec(slot, vi * L)

        for p in range(NBUF - 1):
            issue(p, p)

        zero = jnp.zeros((L,), _F32)

        @plsc.parallel_loop(0, G // L, 1, unroll=8)
        def _(i):
            acc[pl.ds(i * L, L)] = zero

        def ring_body(ti, carry):
            ci0 = ti * NBUF
            for p in range(NBUF):
                ci = ci0 + p
                drain(p)
                nxt = ci + (NBUF - 1)

                @pl.when(nxt < NCHUNK)
                def _(p=p, nxt=nxt):
                    issue(nxt, (p + NBUF - 1) % NBUF)

                compute(p)

            return carry

        lax.fori_loop(0, NCHUNK // NBUF, ring_body, 0)
        for c in range(NCHUNK - NCHUNK % NBUF, NCHUNK):
            drain(c % NBUF)
            compute(c % NBUF)
        pltpu.sync_copy(acc, out_hbm.at[wid])

    return k(distance, eps_ct, lam_ct, r_star, edge_batch)


def _tc_reduce(partials):
    def body(p_ref, o_ref):
        o_ref[...] = jnp.sum(p_ref[...], axis=0, keepdims=True)

    out = pl.pallas_call(
        body,
        out_shape=jax.ShapeDtypeStruct((1, G), _F32),
    )(partials)
    return out.reshape(G)


def kernel(distance, eps_ct_ij, lam_ct_ij, r_star_ij, edge_batch, num_graphs):
    del num_graphs
    partials = _sc_partials(distance, eps_ct_ij, lam_ct_ij, r_star_ij,
                            edge_batch)
    return _tc_reduce(partials)

# --- scband reference (transcript-rebuilt; emitter-appended) ---
"""Pipeline reference for scband-charge-transfer-56805237457295 (READ-ONLY COPY).

The authoritative reference and input builder live on the scoring server;
editing this copy changes nothing except your own understanding.
"""

import jax, jax.numpy as jnp
import numpy as np

E = 6400000
NUM_GRAPHS = 4096
BIDIRECTIONAL = True
ENERGY_SCALE = 1.0


def setup_inputs(seed: int = 0) -> dict:
    key = jax.random.key(seed)
    k1, k2, k3, k4, k5 = jax.random.split(key, 5)
    distance = jax.random.uniform(k1, (E,), dtype=jnp.float32)
    eps_ct_ij = jax.random.uniform(k2, (E,), dtype=jnp.float32)
    lam_ct_ij = jax.random.uniform(k3, (E,), dtype=jnp.float32)
    r_star_ij = jax.random.uniform(k4, (E,), dtype=jnp.float32)
    edge_batch = jnp.sort(jax.random.randint(k5, (E,), 0, NUM_GRAPHS, dtype=jnp.int32))
    return {
        "distance": distance,
        "eps_ct_ij": eps_ct_ij,
        "lam_ct_ij": lam_ct_ij,
        "r_star_ij": r_star_ij,
        "edge_batch": edge_batch,
        "num_graphs": NUM_GRAPHS,
    }


def reference(distance, eps_ct_ij, lam_ct_ij, r_star_ij, edge_batch, num_graphs):
    r = jnp.clip(distance, 1e-06)
    ratio = lam_ct_ij * jnp.clip(r_star_ij, 1e-06) / r
    pair_energy = eps_ct_ij / jnp.power(r, 4) * jnp.exp(-jnp.power(ratio, 3))
    pair_energy = pair_energy * ENERGY_SCALE
    if BIDIRECTIONAL:
        pair_energy = 0.5 * pair_energy
    num_graphs_zero = (jnp.asarray(num_graphs) - jnp.asarray(num_graphs)).astype(edge_batch.dtype)
    energy = jax.ops.segment_sum(pair_energy, edge_batch + num_graphs_zero, num_segments=NUM_GRAPHS)
    return energy

if __name__ == "__main__":
    import jax
    _d = setup_inputs()
    print(jax.jit(kernel)(*tuple(_d.values())))

</pallas_src>

<mosaic_0001>
#map = affine_map<(d0, d1) -> (0)>
#map1 = affine_map<(d0, d1) -> (0, 0)>
module attributes {stable_mosaic.version = 14 : i64} {
  func.func @k(%arg0: i32, %arg1: i32, %arg2: memref<6400000xf32, #tpu.memory_space<hbm>>, %arg3: memref<6400000xf32, #tpu.memory_space<hbm>>, %arg4: memref<6400000xf32, #tpu.memory_space<hbm>>, %arg5: memref<6400000xf32, #tpu.memory_space<hbm>>, %arg6: memref<6400000xi32, #tpu.memory_space<hbm>>, %arg7: memref<32x4096xf32, #tpu.memory_space<hbm>>, %arg8: memref<5000xf32, #tpu.memory_space<vmem>>, %arg9: memref<5000xf32, #tpu.memory_space<vmem>>, %arg10: memref<5000xf32, #tpu.memory_space<vmem>>, %arg11: memref<5000xf32, #tpu.memory_space<vmem>>, %arg12: memref<5000xi32, #tpu.memory_space<vmem>>, %arg13: memref<5000xf32, #tpu.memory_space<vmem>>, %arg14: memref<5000xf32, #tpu.memory_space<vmem>>, %arg15: memref<5000xf32, #tpu.memory_space<vmem>>, %arg16: memref<5000xf32, #tpu.memory_space<vmem>>, %arg17: memref<5000xi32, #tpu.memory_space<vmem>>, %arg18: memref<5000xf32, #tpu.memory_space<vmem>>, %arg19: memref<5000xf32, #tpu.memory_space<vmem>>, %arg20: memref<5000xf32, #tpu.memory_space<vmem>>, %arg21: memref<5000xf32, #tpu.memory_space<vmem>>, %arg22: memref<5000xi32, #tpu.memory_space<vmem>>, %arg23: memref<5000xf32, #tpu.memory_space<vmem>>, %arg24: memref<5000xf32, #tpu.memory_space<vmem>>, %arg25: memref<5000xf32, #tpu.memory_space<vmem>>, %arg26: memref<5000xf32, #tpu.memory_space<vmem>>, %arg27: memref<5000xi32, #tpu.memory_space<vmem>>, %arg28: memref<4096xf32, #tpu.memory_space<vmem>>, %arg29: memref<!tpu.dma_semaphore, #tpu.memory_space<semaphore_mem>>, %arg30: memref<!tpu.dma_semaphore, #tpu.memory_space<semaphore_mem>>, %arg31: memref<!tpu.dma_semaphore, #tpu.memory_space<semaphore_mem>>, %arg32: memref<!tpu.dma_semaphore, #tpu.memory_space<semaphore_mem>>) attributes {dimension_semantics = [#tpu.dimension_semantics<core_parallel>, #tpu.dimension_semantics<subcore_parallel>], iteration_bounds = array<i64: 2, 16>, scalar_prefetch = 0 : i64, scratch_operands = 25 : i64, tpu.core_type = #tpu.core_type<sc_vector_subcore>, window_params = [{transform_indices = #map}, {transform_indices = #map}, {transform_indices = #map}, {transform_indices = #map}, {transform_indices = #map}, {transform_indices = #map1}]} {
    %mul3A = arith.constant 16 : i32
    %mul3A_0 = arith.muli %arg0, %mul3A : i32
    %add3A = arith.addi %mul3A_0, %arg1 : i32
    %mul3A_1 = arith.constant 200000 : i32
    %mul3A_2 = arith.muli %add3A, %mul3A_1 : i32
    %iota3A = tpu.iota {dimensions = array<i32: 0>} : vector<16xi32>
    %add3A_3 = arith.constant 1 : i32
    %add3A_4 = vector.broadcast %add3A_3 : i32 to vector<16xi32>
    %add3A_5 = arith.addi %iota3A, %add3A_4 : vector<16xi32>
    %min3A = arith.constant 15 : i32
    %min3A_6 = vector.broadcast %min3A : i32 to vector<16xi32>
    %min3A_7 = arith.minsi %add3A_5, %min3A_6 : vector<16xi32>
    %eq3A = arith.constant 15 : i32
    %eq3A_8 = vector.broadcast %eq3A : i32 to vector<16xi32>
    %eq3A_9 = arith.cmpi eq, %iota3A, %eq3A_8 : vector<16xi32>
    %add3A_10 = arith.constant 0 : i32
    %add3A_11 = arith.addi %mul3A_2, %add3A_10 : i32
    %dma_start3A = tpu.memref_slice %arg2[%add3A_11] : memref<6400000xf32, #tpu.memory_space<hbm>> -> memref<5000xf32, #tpu.memory_space<hbm>>
    %dma_start3A_12 = tpu.memref_slice %arg2[%add3A_11] : memref<6400000xf32, #tpu.memory_space<hbm>> -> memref<5000xf32, #tpu.memory_space<hbm>>
    tpu.enqueue_dma source(%dma_start3A_12 : memref<5000xf32, #tpu.memory_space<hbm>>) target(%arg8 : memref<5000xf32, #tpu.memory_space<vmem>>) target_semaphore(%arg29 : memref<!tpu.dma_semaphore, #tpu.memory_space<semaphore_mem>>)
    %dma_start3A_13 = tpu.memref_slice %arg3[%add3A_11] : memref<6400000xf32, #tpu.memory_space<hbm>> -> memref<5000xf32, #tpu.memory_space<hbm>>
    %dma_start3A_14 = tpu.memref_slice %arg3[%add3A_11] : memref<6400000xf32, #tpu.memory_space<hbm>> -> memref<5000xf32, #tpu.memory_space<hbm>>
    tpu.enqueue_dma source(%dma_start3A_14 : memref<5000xf32, #tpu.memory_space<hbm>>) target(%arg9 : memref<5000xf32, #tpu.memory_space<vmem>>) target_semaphore(%arg29 : memref<!tpu.dma_semaphore, #tpu.memory_space<semaphore_mem>>)
    %dma_start3A_15 = tpu.memref_slice %arg4[%add3A_11] : memref<6400000xf32, #tpu.memory_space<hbm>> -> memref<5000xf32, #tpu.memory_space<hbm>>
    %dma_start3A_16 = tpu.memref_slice %arg4[%add3A_11] : memref<6400000xf32, #tpu.memory_space<hbm>> -> memref<5000xf32, #tpu.memory_space<hbm>>
    tpu.enqueue_dma source(%dma_start3A_16 : memref<5000xf32, #tpu.memory_space<hbm>>) target(%arg10 : memref<5000xf32, #tpu.memory_space<vmem>>) target_semaphore(%arg29 : memref<!tpu.dma_semaphore, #tpu.memory_space<semaphore_mem>>)
    %dma_start3A_17 = tpu.memref_slice %arg5[%add3A_11] : memref<6400000xf32, #tpu.memory_space<hbm>> -> memref<5000xf32, #tpu.memory_space<hbm>>
    %dma_start3A_18 = tpu.memref_slice %arg5[%add3A_11] : memref<6400000xf32, #tpu.memory_space<hbm>> -> memref<5000xf32, #tpu.memory_space<hbm>>
    tpu.enqueue_dma source(%dma_start3A_18 : memref<5000xf32, #tpu.memory_space<hbm>>) target(%arg11 : memref<5000xf32, #tpu.memory_space<vmem>>) target_semaphore(%arg29 : memref<!tpu.dma_semaphore, #tpu.memory_space<semaphore_mem>>)
    %dma_start3A_19 = tpu.memref_slice %arg6[%add3A_11] : memref<6400000xi32, #tpu.memory_space<hbm>> -> memref<5000xi32, #tpu.memory_space<hbm>>
    %dma_start3A_20 = tpu.memref_slice %arg6[%add3A_11] : memref<6400000xi32, #tpu.memory_space<hbm>> -> memref<5000xi32, #tpu.memory_space<hbm>>
    tpu.enqueue_dma source(%dma_start3A_20 : memref<5000xi32, #tpu.memory_space<hbm>>) target(%arg12 : memref<5000xi32, #tpu.memory_space<vmem>>) target_semaphore(%arg29 : memref<!tpu.dma_semaphore, #tpu.memory_space<semaphore_mem>>)
    %add3A_21 = arith.constant 5000 : i32
    %add3A_22 = arith.addi %mul3A_2, %add3A_21 : i32
    %dma_start3A_23 = tpu.memref_slice %arg2[%add3A_22] : memref<6400000xf32, #tpu.memory_space<hbm>> -> memref<5000xf32, #tpu.memory_space<hbm>>
    %dma_start3A_24 = tpu.memref_slice %arg2[%add3A_22] : memref<6400000xf32, #tpu.memory_space<hbm>> -> memref<5000xf32, #tpu.memory_space<hbm>>
    tpu.enqueue_dma source(%dma_start3A_24 : memref<5000xf32, #tpu.memory_space<hbm>>) target(%arg13 : memref<5000xf32, #tpu.memory_space<vmem>>) target_semaphore(%arg30 : memref<!tpu.dma_semaphore, #tpu.memory_space<semaphore_mem>>)
    %dma_start3A_25 = tpu.memref_slice %arg3[%add3A_22] : memref<6400000xf32, #tpu.memory_space<hbm>> -> memref<5000xf32, #tpu.memory_space<hbm>>
    %dma_start3A_26 = tpu.memref_slice %arg3[%add3A_22] : memref<6400000xf32, #tpu.memory_space<hbm>> -> memref<5000xf32, #tpu.memory_space<hbm>>
    tpu.enqueue_dma source(%dma_start3A_26 : memref<5000xf32, #tpu.memory_space<hbm>>) target(%arg14 : memref<5000xf32, #tpu.memory_space<vmem>>) target_semaphore(%arg30 : memref<!tpu.dma_semaphore, #tpu.memory_space<semaphore_mem>>)
    %dma_start3A_27 = tpu.memref_slice %arg4[%add3A_22] : memref<6400000xf32, #tpu.memory_space<hbm>> -> memref<5000xf32, #tpu.memory_space<hbm>>
    %dma_start3A_28 = tpu.memref_slice %arg4[%add3A_22] : memref<6400000xf32, #tpu.memory_space<hbm>> -> memref<5000xf32, #tpu.memory_space<hbm>>
    tpu.enqueue_dma source(%dma_start3A_28 : memref<5000xf32, #tpu.memory_space<hbm>>) target(%arg15 : memref<5000xf32, #tpu.memory_space<vmem>>) target_semaphore(%arg30 : memref<!tpu.dma_semaphore, #tpu.memory_space<semaphore_mem>>)
    %dma_start3A_29 = tpu.memref_slice %arg5[%add3A_22] : memref<6400000xf32, #tpu.memory_space<hbm>> -> memref<5000xf32, #tpu.memory_space<hbm>>
    %dma_start3A_30 = tpu.memref_slice %arg5[%add3A_22] : memref<6400000xf32, #tpu.memory_space<hbm>> -> memref<5000xf32, #tpu.memory_space<hbm>>
    tpu.enqueue_dma source(%dma_start3A_30 : memref<5000xf32, #tpu.memory_space<hbm>>) target(%arg16 : memref<5000xf32, #tpu.memory_space<vmem>>) target_semaphore(%arg30 : memref<!tpu.dma_semaphore, #tpu.memory_space<semaphore_mem>>)
    %dma_start3A_31 = tpu.memref_slice %arg6[%add3A_22] : memref<6400000xi32, #tpu.memory_space<hbm>> -> memref<5000xi32, #tpu.memory_space<hbm>>
    %dma_start3A_32 = tpu.memref_slice %arg6[%add3A_22] : memref<6400000xi32, #tpu.memory_space<hbm>> -> memref<5000xi32, #tpu.memory_space<hbm>>
    tpu.enqueue_dma source(%dma_start3A_32 : memref<5000xi32, #tpu.memory_space<hbm>>) target(%arg17 : memref<5000xi32, #tpu.memory_space<vmem>>) target_semaphore(%arg30 : memref<!tpu.dma_semaphore, #tpu.memory_space<semaphore_mem>>)
    %add3A_33 = arith.constant 10000 : i32
    %add3A_34 = arith.addi %mul3A_2, %add3A_33 : i32
    %dma_start3A_35 = tpu.memref_slice %arg2[%add3A_34] : memref<6400000xf32, #tpu.memory_space<hbm>> -> memref<5000xf32, #tpu.memory_space<hbm>>
    %dma_start3A_36 = tpu.memref_slice %arg2[%add3A_34] : memref<6400000xf32, #tpu.memory_space<hbm>> -> memref<5000xf32, #tpu.memory_space<hbm>>
    tpu.enqueue_dma source(%dma_start3A_36 : memref<5000xf32, #tpu.memory_space<hbm>>) target(%arg18 : memref<5000xf32, #tpu.memory_space<vmem>>) target_semaphore(%arg31 : memref<!tpu.dma_semaphore, #tpu.memory_space<semaphore_mem>>)
    %dma_start3A_37 = tpu.memref_slice %arg3[%add3A_34] : memref<6400000xf32, #tpu.memory_space<hbm>> -> memref<5000xf32, #tpu.memory_space<hbm>>
    %dma_start3A_38 = tpu.memref_slice %arg3[%add3A_34] : memref<6400000xf32, #tpu.memory_space<hbm>> -> memref<5000xf32, #tpu.memory_space<hbm>>
    tpu.enqueue_dma source(%dma_start3A_38 : memref<5000xf32, #tpu.memory_space<hbm>>) target(%arg19 : memref<5000xf32, #tpu.memory_space<vmem>>) target_semaphore(%arg31 : memref<!tpu.dma_semaphore, #tpu.memory_space<semaphore_mem>>)
    %dma_start3A_39 = tpu.memref_slice %arg4[%add3A_34] : memref<6400000xf32, #tpu.memory_space<hbm>> -> memref<5000xf32, #tpu.memory_space<hbm>>
    %dma_start3A_40 = tpu.memref_slice %arg4[%add3A_34] : memref<6400000xf32, #tpu.memory_space<hbm>> -> memref<5000xf32, #tpu.memory_space<hbm>>
    tpu.enqueue_dma source(%dma_start3A_40 : memref<5000xf32, #tpu.memory_space<hbm>>) target(%arg20 : memref<5000xf32, #tpu.memory_space<vmem>>) target_semaphore(%arg31 : memref<!tpu.dma_semaphore, #tpu.memory_space<semaphore_mem>>)
    %dma_start3A_41 = tpu.memref_slice %arg5[%add3A_34] : memref<6400000xf32, #tpu.memory_space<hbm>> -> memref<5000xf32, #tpu.memory_space<hbm>>
    %dma_start3A_42 = tpu.memref_slice %arg5[%add3A_34] : memref<6400000xf32, #tpu.memory_space<hbm>> -> memref<5000xf32, #tpu.memory_space<hbm>>
    tpu.enqueue_dma source(%dma_start3A_42 : memref<5000xf32, #tpu.memory_space<hbm>>) target(%arg21 : memref<5000xf32, #tpu.memory_space<vmem>>) target_semaphore(%arg31 : memref<!tpu.dma_semaphore, #tpu.memory_space<semaphore_mem>>)
    %dma_start3A_43 = tpu.memref_slice %arg6[%add3A_34] : memref<6400000xi32, #tpu.memory_space<hbm>> -> memref<5000xi32, #tpu.memory_space<hbm>>
    %dma_start3A_44 = tpu.memref_slice %arg6[%add3A_34] : memref<6400000xi32, #tpu.memory_space<hbm>> -> memref<5000xi32, #tpu.memory_space<hbm>>
    tpu.enqueue_dma source(%dma_start3A_44 : memref<5000xi32, #tpu.memory_space<hbm>>) target(%arg22 : memref<5000xi32, #tpu.memory_space<vmem>>) target_semaphore(%arg31 : memref<!tpu.dma_semaphore, #tpu.memory_space<semaphore_mem>>)
    %broadcast_in_dim3A = arith.constant 0.000000e+00 : f32
    %broadcast_in_dim3A_45 = vector.broadcast %broadcast_in_dim3A : f32 to vector<16xf32>
    %parallel_loop3A = arith.constant 0 : i32
    %parallel_loop3A_46 = arith.constant 256 : i32
    %parallel_loop3A_47 = arith.constant 1 : i32
    scf.for %parallel_loop3A_53 = %parallel_loop3A to %parallel_loop3A_46 step %parallel_loop3A_47  : i32 {
      %parallel_loop3A_54 = arith.constant 16 : i32
      %parallel_loop3A_55 = arith.muli %parallel_loop3A_53, %parallel_loop3A_54 : i32
      %parallel_loop3A_56 = arith.index_cast %parallel_loop3A_55 : i32 to index
      %parallel_loop3A_57 = tpu.vector_load %arg28[%parallel_loop3A_56] {strides = array<i32>} : memref<4096xf32, #tpu.memory_space<vmem>>, vector<16xf32>,
      tpu.vector_store %arg28[%parallel_loop3A_56], %broadcast_in_dim3A_45 {strides = array<i32>} : memref<4096xf32, #tpu.memory_space<vmem>>, vector<16xf32>,
    } {sc.loop_unroll_factor = 8 : i64, sc.parallel_access}
    %scan3A = arith.constant 0 : i32
    %scan3A_48 = arith.constant 0 : i32
    %scan3A_49 = arith.constant 10 : i32
    %scan3A_50 = arith.addi %scan3A_48, %scan3A_49 : i32
    %scan3A_51 = arith.constant 1 : i32
    scf.for %scan3A_53 = %scan3A_48 to %scan3A_50 step %scan3A_51  : i32 {
      %mul3A_54 = arith.constant 4 : i32
      %mul3A_55 = arith.muli %scan3A_53, %mul3A_54 : i32
      %add3A_56 = arith.constant 0 : i32
      %add3A_57 = arith.addi %mul3A_55, %add3A_56 : i32
      %dma_wait3A = arith.constant 0 : i32
      %dma_wait3A_58 = tpu.memref_slice %arg2[%dma_wait3A] : memref<6400000xf32, #tpu.memory_space<hbm>> -> memref<5000xf32, #tpu.memory_space<hbm>>
      %dma_wait3A_59 = arith.constant 0 : i32
      %dma_wait3A_60 = tpu.memref_slice %arg2[%dma_wait3A_59] : memref<6400000xf32, #tpu.memory_space<hbm>> -> memref<5000xf32, #tpu.memory_space<hbm>>
      tpu.wait_dma2 semaphore(%arg29 : memref<!tpu.dma_semaphore, #tpu.memory_space<semaphore_mem>>) src(%dma_wait3A_60 : memref<5000xf32, #tpu.memory_space<hbm>>) dst(%arg8 : memref<5000xf32, #tpu.memory_space<vmem>>)
      %dma_wait3A_61 = arith.constant 0 : i32
      %dma_wait3A_62 = tpu.memref_slice %arg3[%dma_wait3A_61] : memref<6400000xf32, #tpu.memory_space<hbm>> -> memref<5000xf32, #tpu.memory_space<hbm>>
      %dma_wait3A_63 = arith.constant 0 : i32
      %dma_wait3A_64 = tpu.memref_slice %arg3[%dma_wait3A_63] : memref<6400000xf32, #tpu.memory_space<hbm>> -> memref<5000xf32, #tpu.memory_space<hbm>>
      tpu.wait_dma2 semaphore(%arg29 : memref<!tpu.dma_semaphore, #tpu.memory_space<semaphore_mem>>) src(%dma_wait3A_64 : memref<5000xf32, #tpu.memory_space<hbm>>) dst(%arg9 : memref<5000xf32, #tpu.memory_space<vmem>>)
      %dma_wait3A_65 = arith.constant 0 : i32
      %dma_wait3A_66 = tpu.memref_slice %arg4[%dma_wait3A_65] : memref<6400000xf32, #tpu.memory_space<hbm>> -> memref<5000xf32, #tpu.memory_space<hbm>>
      %dma_wait3A_67 = arith.constant 0 : i32
      %dma_wait3A_68 = tpu.memref_slice %arg4[%dma_wait3A_67] : memref<6400000xf32, #tpu.memory_space<hbm>> -> memref<5000xf32, #tpu.memory_space<hbm>>
      tpu.wait_dma2 semaphore(%arg29 : memref<!tpu.dma_semaphore, #tpu.memory_space<semaphore_mem>>) src(%dma_wait3A_68 : memref<5000xf32, #tpu.memory_space<hbm>>) dst(%arg10 : memref<5000xf32, #tpu.memory_space<vmem>>)
      %dma_wait3A_69 = arith.constant 0 : i32
      %dma_wait3A_70 = tpu.memref_slice %arg5[%dma_wait3A_69] : memref<6400000xf32, #tpu.memory_space<hbm>> -> memref<5000xf32, #tpu.memory_space<hbm>>
      %dma_wait3A_71 = arith.constant 0 : i32
      %dma_wait3A_72 = tpu.memref_slice %arg5[%dma_wait3A_71] : memref<6400000xf32, #tpu.memory_space<hbm>> -> memref<5000xf32, #tpu.memory_space<hbm>>
      tpu.wait_dma2 semaphore(%arg29 : memref<!tpu.dma_semaphore, #tpu.memory_space<semaphore_mem>>) src(%dma_wait3A_72 : memref<5000xf32, #tpu.memory_space<hbm>>) dst(%arg11 : memref<5000xf32, #tpu.memory_space<vmem>>)
      %dma_wait3A_73 = arith.constant 0 : i32
      %dma_wait3A_74 = tpu.memref_slice %arg6[%dma_wait3A_73] : memref<6400000xi32, #tpu.memory_space<hbm>> -> memref<5000xi32, #tpu.memory_space<hbm>>
      %dma_wait3A_75 = arith.constant 0 : i32
      %dma_wait3A_76 = tpu.memref_slice %arg6[%dma_wait3A_75] : memref<6400000xi32, #tpu.memory_space<hbm>> -> memref<5000xi32, #tpu.memory_space<hbm>>
      tpu.wait_dma2 semaphore(%arg29 : memref<!tpu.dma_semaphore, #tpu.memory_space<semaphore_mem>>) src(%dma_wait3A_76 : memref<5000xi32, #tpu.memory_space<hbm>>) dst(%arg12 : memref<5000xi32, #tpu.memory_space<vmem>>)
      %add3A_77 = arith.constant 3 : i32
      %add3A_78 = arith.addi %add3A_57, %add3A_77 : i32
      %lt3A = arith.constant 40 : i32
      %lt3A_79 = arith.cmpi slt, %add3A_78, %lt3A : i32
      %convert_element_type3A = arith.extui %lt3A_79 : i1 to i32
      %cond3A = arith.constant 0 : i32
      %cond3A_80 = arith.cmpi ne, %convert_element_type3A, %cond3A : i32
      scf.if %cond3A_80 {
        %mul3A_180 = arith.constant 5000 : i32
        %mul3A_181 = arith.muli %add3A_78, %mul3A_180 : i32
        %add3A_182 = arith.addi %mul3A_2, %mul3A_181 : i32
        %dma_start3A_183 = tpu.memref_slice %arg2[%add3A_182] : memref<6400000xf32, #tpu.memory_space<hbm>> -> memref<5000xf32, #tpu.memory_space<hbm>>
        %dma_start3A_184 = tpu.memref_slice %arg2[%add3A_182] : memref<6400000xf32, #tpu.memory_space<hbm>> -> memref<5000xf32, #tpu.memory_space<hbm>>
        tpu.enqueue_dma source(%dma_start3A_184 : memref<5000xf32, #tpu.memory_space<hbm>>) target(%arg23 : memref<5000xf32, #tpu.memory_space<vmem>>) target_semaphore(%arg32 : memref<!tpu.dma_semaphore, #tpu.memory_space<semaphore_mem>>)
        %dma_start3A_185 = tpu.memref_slice %arg3[%add3A_182] : memref<6400000xf32, #tpu.memory_space<hbm>> -> memref<5000xf32, #tpu.memory_space<hbm>>
        %dma_start3A_186 = tpu.memref_slice %arg3[%add3A_182] : memref<6400000xf32, #tpu.memory_space<hbm>> -> memref<5000xf32, #tpu.memory_space<hbm>>
        tpu.enqueue_dma source(%dma_start3A_186 : memref<5000xf32, #tpu.memory_space<hbm>>) target(%arg24 : memref<5000xf32, #tpu.memory_space<vmem>>) target_semaphore(%arg32 : memref<!tpu.dma_semaphore, #tpu.memory_space<semaphore_mem>>)
        %dma_start3A_187 = tpu.memref_slice %arg4[%add3A_182] : memref<6400000xf32, #tpu.memory_space<hbm>> -> memref<5000xf32, #tpu.memory_space<hbm>>
        %dma_start3A_188 = tpu.memref_slice %arg4[%add3A_182] : memref<6400000xf32, #tpu.memory_space<hbm>> -> memref<5000xf32, #tpu.memory_space<hbm>>
        tpu.enqueue_dma source(%dma_start3A_188 : memref<5000xf32, #tpu.memory_space<hbm>>) target(%arg25 : memref<5000xf32, #tpu.memory_space<vmem>>) target_semaphore(%arg32 : memref<!tpu.dma_semaphore, #tpu.memory_space<semaphore_mem>>)
        %dma_start3A_189 = tpu.memref_slice %arg5[%add3A_182] : memref<6400000xf32, #tpu.memory_space<hbm>> -> memref<5000xf32, #tpu.memory_space<hbm>>
        %dma_start3A_190 = tpu.memref_slice %arg5[%add3A_182] : memref<6400000xf32, #tpu.memory_space<hbm>> -> memref<5000xf32, #tpu.memory_space<hbm>>
        tpu.enqueue_dma source(%dma_start3A_190 : memref<5000xf32, #tpu.memory_space<hbm>>) target(%arg26 : memref<5000xf32, #tpu.memory_space<vmem>>) target_semaphore(%arg32 : memref<!tpu.dma_semaphore, #tpu.memory_space<semaphore_mem>>)
        %dma_start3A_191 = tpu.memref_slice %arg6[%add3A_182] : memref<6400000xi32, #tpu.memory_space<hbm>> -> memref<5000xi32, #tpu.memory_space<hbm>>
        %dma_start3A_192 = tpu.memref_slice %arg6[%add3A_182] : memref<6400000xi32, #tpu.memory_space<hbm>> -> memref<5000xi32, #tpu.memory_space<hbm>>
        tpu.enqueue_dma source(%dma_start3A_192 : memref<5000xi32, #tpu.memory_space<hbm>>) target(%arg27 : memref<5000xi32, #tpu.memory_space<vmem>>) target_semaphore(%arg32 : memref<!tpu.dma_semaphore, #tpu.memory_space<semaphore_mem>>)
      } else {
      }
      %parallel_loop3A_81 = arith.constant 0 : i32
      %parallel_loop3A_82 = arith.constant 312 : i32
      %parallel_loop3A_83 = arith.constant 1 : i32
      scf.for %parallel_loop3A_180 = %parallel_loop3A_81 to %parallel_loop3A_82 step %parallel_loop3A_83  : i32 {
        %parallel_loop3A_181 = arith.constant 16 : i32
        %parallel_loop3A_182 = arith.muli %parallel_loop3A_180, %parallel_loop3A_181 : i32
        %parallel_loop3A_183 = arith.index_cast %parallel_loop3A_182 : i32 to index
        %parallel_loop3A_184 = tpu.vector_load %arg8[%parallel_loop3A_183] {strides = array<i32>} : memref<5000xf32, #tpu.memory_space<vmem>>, vector<16xf32>,
        %parallel_loop3A_185 = arith.index_cast %parallel_loop3A_182 : i32 to index
        %parallel_loop3A_186 = tpu.vector_load %arg9[%parallel_loop3A_185] {strides = array<i32>} : memref<5000xf32, #tpu.memory_space<vmem>>, vector<16xf32>,
        %parallel_loop3A_187 = arith.index_cast %parallel_loop3A_182 : i32 to index
        %parallel_loop3A_188 = tpu.vector_load %arg10[%parallel_loop3A_187] {strides = array<i32>} : memref<5000xf32, #tpu.memory_space<vmem>>, vector<16xf32>,
        %parallel_loop3A_189 = arith.index_cast %parallel_loop3A_182 : i32 to index
        %parallel_loop3A_190 = tpu.vector_load %arg11[%parallel_loop3A_189] {strides = array<i32>} : memref<5000xf32, #tpu.memory_space<vmem>>, vector<16xf32>,
        %parallel_loop3A_191 = arith.index_cast %parallel_loop3A_182 : i32 to index
        %parallel_loop3A_192 = tpu.vector_load %arg12[%parallel_loop3A_191] {strides = array<i32>} : memref<5000xi32, #tpu.memory_space<vmem>>, vector<16xi32>,
        %parallel_loop3A_193 = arith.constant 9.99999997E-7 : f32
        %parallel_loop3A_194 = vector.broadcast %parallel_loop3A_193 : f32 to vector<16xf32>
        %parallel_loop3A_195 = arith.maximumf %parallel_loop3A_184, %parallel_loop3A_194 : vector<16xf32>
        %parallel_loop3A_196 = arith.constant 1.000000e+00 : f32
        %parallel_loop3A_197 = vector.broadcast %parallel_loop3A_196 : f32 to vector<16xf32>
        %parallel_loop3A_198 = arith.divf %parallel_loop3A_197, %parallel_loop3A_195 : vector<16xf32>
        %parallel_loop3A_199 = arith.constant 9.99999997E-7 : f32
        %parallel_loop3A_200 = vector.broadcast %parallel_loop3A_199 : f32 to vector<16xf32>
        %parallel_loop3A_201 = arith.maximumf %parallel_loop3A_190, %parallel_loop3A_200 : vector<16xf32>
        %parallel_loop3A_202 = arith.mulf %parallel_loop3A_188, %parallel_loop3A_201 : vector<16xf32>
        %parallel_loop3A_203 = arith.mulf %parallel_loop3A_202, %parallel_loop3A_198 : vector<16xf32>
        %parallel_loop3A_204 = arith.mulf %parallel_loop3A_198, %parallel_loop3A_198 : vector<16xf32>
        %parallel_loop3A_205 = arith.mulf %parallel_loop3A_203, %parallel_loop3A_203 : vector<16xf32>
        %parallel_loop3A_206 = arith.mulf %parallel_loop3A_205, %parallel_loop3A_203 : vector<16xf32>
        %parallel_loop3A_207 = arith.constant 5.000000e-01 : f32
        %parallel_loop3A_208 = vector.broadcast %parallel_loop3A_207 : f32 to vector<16xf32>
        %parallel_loop3A_209 = arith.mulf %parallel_loop3A_208, %parallel_loop3A_186 : vector<16xf32>
        %parallel_loop3A_210 = arith.mulf %parallel_loop3A_204, %parallel_loop3A_204 : vector<16xf32>
        %parallel_loop3A_211 = arith.mulf %parallel_loop3A_209, %parallel_loop3A_210 : vector<16xf32>
        %parallel_loop3A_212 = arith.constant 0.000000e+00 : f32
        %parallel_loop3A_213 = vector.broadcast %parallel_loop3A_212 : f32 to vector<16xf32>
        %parallel_loop3A_214 = arith.subf %parallel_loop3A_213, %parallel_loop3A_206 : vector<16xf32>
        %parallel_loop3A_215 = math.exp %parallel_loop3A_214 : vector<16xf32>
        %parallel_loop3A_216 = arith.mulf %parallel_loop3A_211, %parallel_loop3A_215 : vector<16xf32>
        %parallel_loop3A_217 = arith.constant true
        %parallel_loop3A_218 = vector.broadcast %parallel_loop3A_217 : i1 to vector<16xi1>
        %parallel_loop3A_219 = tpu.scan <sum>, %parallel_loop3A_216 masked %parallel_loop3A_218 : vector<16xf32>, vector<16xi1> -> vector<16xf32>
        %parallel_loop3A_220 = arith.constant 0 : i32
        %parallel_loop3A_221 = vector.broadcast %parallel_loop3A_220 : i32 to vector<16xi32>
        %parallel_loop3A_222 = arith.cmpi slt, %min3A_7, %parallel_loop3A_221 : vector<16xi32>
        %parallel_loop3A_223 = arith.constant 16 : i32
        %parallel_loop3A_224 = vector.broadcast %parallel_loop3A_223 : i32 to vector<16xi32>
        %parallel_loop3A_225 = arith.addi %min3A_7, %parallel_loop3A_224 : vector<16xi32>
        %parallel_loop3A_226 = arith.select %parallel_loop3A_222, %parallel_loop3A_225, %min3A_7 : vector<16xi1>, vector<16xi32>
        %parallel_loop3A_227 = vector.shape_cast %parallel_loop3A_226 : vector<16xi32> to vector<16x1xi32>
        %parallel_loop3A_228 = vector.shape_cast %parallel_loop3A_227 : vector<16x1xi32> to vector<16xi32>
        %parallel_loop3A_229 = tpu.dynamic_gather %parallel_loop3A_192[%parallel_loop3A_228] in [0] : vector<16xi32>, vector<16xi32> -> vector<16xi32>
        %parallel_loop3A_230 = arith.cmpi ne, %parallel_loop3A_192, %parallel_loop3A_229 : vector<16xi32>
        %parallel_loop3A_231 = arith.ori %parallel_loop3A_230, %eq3A_9 : vector<16xi1>
        tpu.vector_store_idx %arg28[%parallel_loop3A_192], %parallel_loop3A_219 masked %parallel_loop3A_231 {add = true} : memref<4096xf32, #tpu.memory_space<vmem>>[vector<16xi32>], vector<16xf32>, vector<16xi1>
        %parallel_loop3A_232 = arith.constant 0.000000e+00 : f32
        %parallel_loop3A_233 = vector.broadcast %parallel_loop3A_232 : f32 to vector<16xf32>
        %parallel_loop3A_234 = arith.subf %parallel_loop3A_233, %parallel_loop3A_219 : vector<16xf32>
        tpu.vector_store_idx %arg28[%parallel_loop3A_229], %parallel_loop3A_234 masked %parallel_loop3A_230 {add = true} : memref<4096xf32, #tpu.memory_space<vmem>>[vector<16xi32>], vector<16xf32>, vector<16xi1>
      } {sc.loop_unroll_factor = 8 : i64, sc.parallel_access}
      %add3A_84 = arith.constant 1 : i32
      %add3A_85 = arith.addi %mul3A_55, %add3A_84 : i32
      %dma_wait3A_86 = arith.constant 0 : i32
      %dma_wait3A_87 = tpu.memref_slice %arg2[%dma_wait3A_86] : memref<6400000xf32, #tpu.memory_space<hbm>> -> memref<5000xf32, #tpu.memory_space<hbm>>
      %dma_wait3A_88 = arith.constant 0 : i32
      %dma_wait3A_89 = tpu.memref_slice %arg2[%dma_wait3A_88] : memref<6400000xf32, #tpu.memory_space<hbm>> -> memref<5000xf32, #tpu.memory_space<hbm>>
      tpu.wait_dma2 semaphore(%arg30 : memref<!tpu.dma_semaphore, #tpu.memory_space<semaphore_mem>>) src(%dma_wait3A_89 : memref<5000xf32, #tpu.memory_space<hbm>>) dst(%arg13 : memref<5000xf32, #tpu.memory_space<vmem>>)
      %dma_wait3A_90 = arith.constant 0 : i32
      %dma_wait3A_91 = tpu.memref_slice %arg3[%dma_wait3A_90] : memref<6400000xf32, #tpu.memory_space<hbm>> -> memref<5000xf32, #tpu.memory_space<hbm>>
      %dma_wait3A_92 = arith.constant 0 : i32
      %dma_wait3A_93 = tpu.memref_slice %arg3[%dma_wait3A_92] : memref<6400000xf32, #tpu.memory_space<hbm>> -> memref<5000xf32, #tpu.memory_space<hbm>>
      tpu.wait_dma2 semaphore(%arg30 : memref<!tpu.dma_semaphore, #tpu.memory_space<semaphore_mem>>) src(%dma_wait3A_93 : memref<5000xf32, #tpu.memory_space<hbm>>) dst(%arg14 : memref<5000xf32, #tpu.memory_space<vmem>>)
      %dma_wait3A_94 = arith.constant 0 : i32
      %dma_wait3A_95 = tpu.memref_slice %arg4[%dma_wait3A_94] : memref<6400000xf32, #tpu.memory_space<hbm>> -> memref<5000xf32, #tpu.memory_space<hbm>>
      %dma_wait3A_96 = arith.constant 0 : i32
      %dma_wait3A_97 = tpu.memref_slice %arg4[%dma_wait3A_96] : memref<6400000xf32, #tpu.memory_space<hbm>> -> memref<5000xf32, #tpu.memory_space<hbm>>
      tpu.wait_dma2 semaphore(%arg30 : memref<!tpu.dma_semaphore, #tpu.memory_space<semaphore_mem>>) src(%dma_wait3A_97 : memref<5000xf32, #tpu.memory_space<hbm>>) dst(%arg15 : memref<5000xf32, #tpu.memory_space<vmem>>)
      %dma_wait3A_98 = arith.constant 0 : i32
      %dma_wait3A_99 = tpu.memref_slice %arg5[%dma_wait3A_98] : memref<6400000xf32, #tpu.memory_space<hbm>> -> memref<5000xf32, #tpu.memory_space<hbm>>
      %dma_wait3A_100 = arith.constant 0 : i32
      %dma_wait3A_101 = tpu.memref_slice %arg5[%dma_wait3A_100] : memref<6400000xf32, #tpu.memory_space<hbm>> -> memref<5000xf32, #tpu.memory_space<hbm>>
      tpu.wait_dma2 semaphore(%arg30 : memref<!tpu.dma_semaphore, #tpu.memory_space<semaphore_mem>>) src(%dma_wait3A_101 : memref<5000xf32, #tpu.memory_space<hbm>>) dst(%arg16 : memref<5000xf32, #tpu.memory_space<vmem>>)
      %dma_wait3A_102 = arith.constant 0 : i32
      %dma_wait3A_103 = tpu.memref_slice %arg6[%dma_wait3A_102] : memref<6400000xi32, #tpu.memory_space<hbm>> -> memref<5000xi32, #tpu.memory_space<hbm>>
      %dma_wait3A_104 = arith.constant 0 : i32
      %dma_wait3A_105 = tpu.memref_slice %arg6[%dma_wait3A_104] : memref<6400000xi32, #tpu.memory_space<hbm>> -> memref<5000xi32, #tpu.memory_space<hbm>>
      tpu.wait_dma2 semaphore(%arg30 : memref<!tpu.dma_semaphore, #tpu.memory_space<semaphore_mem>>) src(%dma_wait3A_105 : memref<5000xi32, #tpu.memory_space<hbm>>) dst(%arg17 : memref<5000xi32, #tpu.memory_space<vmem>>)
      %add3A_106 = arith.constant 3 : i32
      %add3A_107 = arith.addi %add3A_85, %add3A_106 : i32
      %lt3A_108 = arith.constant 40 : i32
      %lt3A_109 = arith.cmpi slt, %add3A_107, %lt3A_108 : i32
      %convert_element_type3A_110 = arith.extui %lt3A_109 : i1 to i32
      %cond3A_111 = arith.constant 0 : i32
      %cond3A_112 = arith.cmpi ne, %convert_element_type3A_110, %cond3A_111 : i32
      scf.if %cond3A_112 {
        %mul3A_180 = arith.constant 5000 : i32
        %mul3A_181 = arith.muli %add3A_107, %mul3A_180 : i32
        %add3A_182 = arith.addi %mul3A_2, %mul3A_181 : i32
        %dma_start3A_183 = tpu.memref_slice %arg2[%add3A_182] : memref<6400000xf32, #tpu.memory_space<hbm>> -> memref<5000xf32, #tpu.memory_space<hbm>>
        %dma_start3A_184 = tpu.memref_slice %arg2[%add3A_182] : memref<6400000xf32, #tpu.memory_space<hbm>> -> memref<5000xf32, #tpu.memory_space<hbm>>
        tpu.enqueue_dma source(%dma_start3A_184 : memref<5000xf32, #tpu.memory_space<hbm>>) target(%arg8 : memref<5000xf32, #tpu.memory_space<vmem>>) target_semaphore(%arg29 : memref<!tpu.dma_semaphore, #tpu.memory_space<semaphore_mem>>)
        %dma_start3A_185 = tpu.memref_slice %arg3[%add3A_182] : memref<6400000xf32, #tpu.memory_space<hbm>> -> memref<5000xf32, #tpu.memory_space<hbm>>
        %dma_start3A_186 = tpu.memref_slice %arg3[%add3A_182] : memref<6400000xf32, #tpu.memory_space<hbm>> -> memref<5000xf32, #tpu.memory_space<hbm>>
        tpu.enqueue_dma source(%dma_start3A_186 : memref<5000xf32, #tpu.memory_space<hbm>>) target(%arg9 : memref<5000xf32, #tpu.memory_space<vmem>>) target_semaphore(%arg29 : memref<!tpu.dma_semaphore, #tpu.memory_space<semaphore_mem>>)
        %dma_start3A_187 = tpu.memref_slice %arg4[%add3A_182] : memref<6400000xf32, #tpu.memory_space<hbm>> -> memref<5000xf32, #tpu.memory_space<hbm>>
        %dma_start3A_188 = tpu.memref_slice %arg4[%add3A_182] : memref<6400000xf32, #tpu.memory_space<hbm>> -> memref<5000xf32, #tpu.memory_space<hbm>>
        tpu.enqueue_dma source(%dma_start3A_188 : memref<5000xf32, #tpu.memory_space<hbm>>) target(%arg10 : memref<5000xf32, #tpu.memory_space<vmem>>) target_semaphore(%arg29 : memref<!tpu.dma_semaphore, #tpu.memory_space<semaphore_mem>>)
        %dma_start3A_189 = tpu.memref_slice %arg5[%add3A_182] : memref<6400000xf32, #tpu.memory_space<hbm>> -> memref<5000xf32, #tpu.memory_space<hbm>>
        %dma_start3A_190 = tpu.memref_slice %arg5[%add3A_182] : memref<6400000xf32, #tpu.memory_space<hbm>> -> memref<5000xf32, #tpu.memory_space<hbm>>
        tpu.enqueue_dma source(%dma_start3A_190 : memref<5000xf32, #tpu.memory_space<hbm>>) target(%arg11 : memref<5000xf32, #tpu.memory_space<vmem>>) target_semaphore(%arg29 : memref<!tpu.dma_semaphore, #tpu.memory_space<semaphore_mem>>)
        %dma_start3A_191 = tpu.memref_slice %arg6[%add3A_182] : memref<6400000xi32, #tpu.memory_space<hbm>> -> memref<5000xi32, #tpu.memory_space<hbm>>
        %dma_start3A_192 = tpu.memref_slice %arg6[%add3A_182] : memref<6400000xi32, #tpu.memory_space<hbm>> -> memref<5000xi32, #tpu.memory_space<hbm>>
        tpu.enqueue_dma source(%dma_start3A_192 : memref<5000xi32, #tpu.memory_space<hbm>>) target(%arg12 : memref<5000xi32, #tpu.memory_space<vmem>>) target_semaphore(%arg29 : memref<!tpu.dma_semaphore, #tpu.memory_space<semaphore_mem>>)
      } else {
      }
      %parallel_loop3A_113 = arith.constant 0 : i32
      %parallel_loop3A_114 = arith.constant 312 : i32
      %parallel_loop3A_115 = arith.constant 1 : i32
      scf.for %parallel_loop3A_180 = %parallel_loop3A_113 to %parallel_loop3A_114 step %parallel_loop3A_115  : i32 {
        %parallel_loop3A_181 = arith.constant 16 : i32
        %parallel_loop3A_182 = arith.muli %parallel_loop3A_180, %parallel_loop3A_181 : i32
        %parallel_loop3A_183 = arith.index_cast %parallel_loop3A_182 : i32 to index
        %parallel_loop3A_184 = tpu.vector_load %arg13[%parallel_loop3A_183] {strides = array<i32>} : memref<5000xf32, #tpu.memory_space<vmem>>, vector<16xf32>,
        %parallel_loop3A_185 = arith.index_cast %parallel_loop3A_182 : i32 to index
        %parallel_loop3A_186 = tpu.vector_load %arg14[%parallel_loop3A_185] {strides = array<i32>} : memref<5000xf32, #tpu.memory_space<vmem>>, vector<16xf32>,
        %parallel_loop3A_187 = arith.index_cast %parallel_loop3A_182 : i32 to index
        %parallel_loop3A_188 = tpu.vector_load %arg15[%parallel_loop3A_187] {strides = array<i32>} : memref<5000xf32, #tpu.memory_space<vmem>>, vector<16xf32>,
        %parallel_loop3A_189 = arith.index_cast %parallel_loop3A_182 : i32 to index
        %parallel_loop3A_190 = tpu.vector_load %arg16[%parallel_loop3A_189] {strides = array<i32>} : memref<5000xf32, #tpu.memory_space<vmem>>, vector<16xf32>,
        %parallel_loop3A_191 = arith.index_cast %parallel_loop3A_182 : i32 to index
        %parallel_loop3A_192 = tpu.vector_load %arg17[%parallel_loop3A_191] {strides = array<i32>} : memref<5000xi32, #tpu.memory_space<vmem>>, vector<16xi32>,
        %parallel_loop3A_193 = arith.constant 9.99999997E-7 : f32
        %parallel_loop3A_194 = vector.broadcast %parallel_loop3A_193 : f32 to vector<16xf32>
        %parallel_loop3A_195 = arith.maximumf %parallel_loop3A_184, %parallel_loop3A_194 : vector<16xf32>
        %parallel_loop3A_196 = arith.constant 1.000000e+00 : f32
        %parallel_loop3A_197 = vector.broadcast %parallel_loop3A_196 : f32 to vector<16xf32>
        %parallel_loop3A_198 = arith.divf %parallel_loop3A_197, %parallel_loop3A_195 : vector<16xf32>
        %parallel_loop3A_199 = arith.constant 9.99999997E-7 : f32
        %parallel_loop3A_200 = vector.broadcast %parallel_loop3A_199 : f32 to vector<16xf32>
        %parallel_loop3A_201 = arith.maximumf %parallel_loop3A_190, %parallel_loop3A_200 : vector<16xf32>
        %parallel_loop3A_202 = arith.mulf %parallel_loop3A_188, %parallel_loop3A_201 : vector<16xf32>
        %parallel_loop3A_203 = arith.mulf %parallel_loop3A_202, %parallel_loop3A_198 : vector<16xf32>
        %parallel_loop3A_204 = arith.mulf %parallel_loop3A_198, %parallel_loop3A_198 : vector<16xf32>
        %parallel_loop3A_205 = arith.mulf %parallel_loop3A_203, %parallel_loop3A_203 : vector<16xf32>
        %parallel_loop3A_206 = arith.mulf %parallel_loop3A_205, %parallel_loop3A_203 : vector<16xf32>
        %parallel_loop3A_207 = arith.constant 5.000000e-01 : f32
        %parallel_loop3A_208 = vector.broadcast %parallel_loop3A_207 : f32 to vector<16xf32>
        %parallel_loop3A_209 = arith.mulf %parallel_loop3A_208, %parallel_loop3A_186 : vector<16xf32>
        %parallel_loop3A_210 = arith.mulf %parallel_loop3A_204, %parallel_loop3A_204 : vector<16xf32>
        %parallel_loop3A_211 = arith.mulf %parallel_loop3A_209, %parallel_loop3A_210 : vector<16xf32>
        %parallel_loop3A_212 = arith.constant 0.000000e+00 : f32
        %parallel_loop3A_213 = vector.broadcast %parallel_loop3A_212 : f32 to vector<16xf32>
        %parallel_loop3A_214 = arith.subf %parallel_loop3A_213, %parallel_loop3A_206 : vector<16xf32>
        %parallel_loop3A_215 = math.exp %parallel_loop3A_214 : vector<16xf32>
        %parallel_loop3A_216 = arith.mulf %parallel_loop3A_211, %parallel_loop3A_215 : vector<16xf32>
        %parallel_loop3A_217 = arith.constant true
        %parallel_loop3A_218 = vector.broadcast %parallel_loop3A_217 : i1 to vector<16xi1>
        %parallel_loop3A_219 = tpu.scan <sum>, %parallel_loop3A_216 masked %parallel_loop3A_218 : vector<16xf32>, vector<16xi1> -> vector<16xf32>
        %parallel_loop3A_220 = arith.constant 0 : i32
        %parallel_loop3A_221 = vector.broadcast %parallel_loop3A_220 : i32 to vector<16xi32>
        %parallel_loop3A_222 = arith.cmpi slt, %min3A_7, %parallel_loop3A_221 : vector<16xi32>
        %parallel_loop3A_223 = arith.constant 16 : i32
        %parallel_loop3A_224 = vector.broadcast %parallel_loop3A_223 : i32 to vector<16xi32>
        %parallel_loop3A_225 = arith.addi %min3A_7, %parallel_loop3A_224 : vector<16xi32>
        %parallel_loop3A_226 = arith.select %parallel_loop3A_222, %parallel_loop3A_225, %min3A_7 : vector<16xi1>, vector<16xi32>
        %parallel_loop3A_227 = vector.shape_cast %parallel_loop3A_226 : vector<16xi32> to vector<16x1xi32>
        %parallel_loop3A_228 = vector.shape_cast %parallel_loop3A_227 : vector<16x1xi32> to vector<16xi32>
        %parallel_loop3A_229 = tpu.dynamic_gather %parallel_loop3A_192[%parallel_loop3A_228] in [0] : vector<16xi32>, vector<16xi32> -> vector<16xi32>
        %parallel_loop3A_230 = arith.cmpi ne, %parallel_loop3A_192, %parallel_loop3A_229 : vector<16xi32>
        %parallel_loop3A_231 = arith.ori %parallel_loop3A_230, %eq3A_9 : vector<16xi1>
        tpu.vector_store_idx %arg28[%parallel_loop3A_192], %parallel_loop3A_219 masked %parallel_loop3A_231 {add = true} : memref<4096xf32, #tpu.memory_space<vmem>>[vector<16xi32>], vector<16xf32>, vector<16xi1>
        %parallel_loop3A_232 = arith.constant 0.000000e+00 : f32
        %parallel_loop3A_233 = vector.broadcast %parallel_loop3A_232 : f32 to vector<16xf32>
        %parallel_loop3A_234 = arith.subf %parallel_loop3A_233, %parallel_loop3A_219 : vector<16xf32>
        tpu.vector_store_idx %arg28[%parallel_loop3A_229], %parallel_loop3A_234 masked %parallel_loop3A_230 {add = true} : memref<4096xf32, #tpu.memory_space<vmem>>[vector<16xi32>], vector<16xf32>, vector<16xi1>
      } {sc.loop_unroll_factor = 8 : i64, sc.parallel_access}
      %add3A_116 = arith.constant 2 : i32
      %add3A_117 = arith.addi %mul3A_55, %add3A_116 : i32
      %dma_wait3A_118 = arith.constant 0 : i32
      %dma_wait3A_119 = tpu.memref_slice %arg2[%dma_wait3A_118] : memref<6400000xf32, #tpu.memory_space<hbm>> -> memref<5000xf32, #tpu.memory_space<hbm>>
      %dma_wait3A_120 = arith.constant 0 : i32
      %dma_wait3A_121 = tpu.memref_slice %arg2[%dma_wait3A_120] : memref<6400000xf32, #tpu.memory_space<hbm>> -> memref<5000xf32, #tpu.memory_space<hbm>>
      tpu.wait_dma2 semaphore(%arg31 : memref<!tpu.dma_semaphore, #tpu.memory_space<semaphore_mem>>) src(%dma_wait3A_121 : memref<5000xf32, #tpu.memory_space<hbm>>) dst(%arg18 : memref<5000xf32, #tpu.memory_space<vmem>>)
      %dma_wait3A_122 = arith.constant 0 : i32
      %dma_wait3A_123 = tpu.memref_slice %arg3[%dma_wait3A_122] : memref<6400000xf32, #tpu.memory_space<hbm>> -> memref<5000xf32, #tpu.memory_space<hbm>>
      %dma_wait3A_124 = arith.constant 0 : i32
      %dma_wait3A_125 = tpu.memref_slice %arg3[%dma_wait3A_124] : memref<6400000xf32, #tpu.memory_space<hbm>> -> memref<5000xf32, #tpu.memory_space<hbm>>
      tpu.wait_dma2 semaphore(%arg31 : memref<!tpu.dma_semaphore, #tpu.memory_space<semaphore_mem>>) src(%dma_wait3A_125 : memref<5000xf32, #tpu.memory_space<hbm>>) dst(%arg19 : memref<5000xf32, #tpu.memory_space<vmem>>)
      %dma_wait3A_126 = arith.constant 0 : i32
      %dma_wait3A_127 = tpu.memref_slice %arg4[%dma_wait3A_126] : memref<6400000xf32, #tpu.memory_space<hbm>> -> memref<5000xf32, #tpu.memory_space<hbm>>
      %dma_wait3A_128 = arith.constant 0 : i32
      %dma_wait3A_129 = tpu.memref_slice %arg4[%dma_wait3A_128] : memref<6400000xf32, #tpu.memory_space<hbm>> -> memref<5000xf32, #tpu.memory_space<hbm>>
      tpu.wait_dma2 semaphore(%arg31 : memref<!tpu.dma_semaphore, #tpu.memory_space<semaphore_mem>>) src(%dma_wait3A_129 : memref<5000xf32, #tpu.memory_space<hbm>>) dst(%arg20 : memref<5000xf32, #tpu.memory_space<vmem>>)
      %dma_wait3A_130 = arith.constant 0 : i32
      %dma_wait3A_131 = tpu.memref_slice %arg5[%dma_wait3A_130] : memref<6400000xf32, #tpu.memory_space<hbm>> -> memref<5000xf32, #tpu.memory_space<hbm>>
      %dma_wait3A_132 = arith.constant 0 : i32
      %dma_wait3A_133 = tpu.memref_slice %arg5[%dma_wait3A_132] : memref<6400000xf32, #tpu.memory_space<hbm>> -> memref<5000xf32, #tpu.memory_space<hbm>>
      tpu.wait_dma2 semaphore(%arg31 : memref<!tpu.dma_semaphore, #tpu.memory_space<semaphore_mem>>) src(%dma_wait3A_133 : memref<5000xf32, #tpu.memory_space<hbm>>) dst(%arg21 : memref<5000xf32, #tpu.memory_space<vmem>>)
      %dma_wait3A_134 = arith.constant 0 : i32
      %dma_wait3A_135 = tpu.memref_slice %arg6[%dma_wait3A_134] : memref<6400000xi32, #tpu.memory_space<hbm>> -> memref<5000xi32, #tpu.memory_space<hbm>>
      %dma_wait3A_136 = arith.constant 0 : i32
      %dma_wait3A_137 = tpu.memref_slice %arg6[%dma_wait3A_136] : memref<6400000xi32, #tpu.memory_space<hbm>> -> memref<5000xi32, #tpu.memory_space<hbm>>
      tpu.wait_dma2 semaphore(%arg31 : memref<!tpu.dma_semaphore, #tpu.memory_space<semaphore_mem>>) src(%dma_wait3A_137 : memref<5000xi32, #tpu.memory_space<hbm>>) dst(%arg22 : memref<5000xi32, #tpu.memory_space<vmem>>)
      %add3A_138 = arith.constant 3 : i32
      %add3A_139 = arith.addi %add3A_117, %add3A_138 : i32
      %lt3A_140 = arith.constant 40 : i32
      %lt3A_141 = arith.cmpi slt, %add3A_139, %lt3A_140 : i32
      %convert_element_type3A_142 = arith.extui %lt3A_141 : i1 to i32
      %cond3A_143 = arith.constant 0 : i32
      %cond3A_144 = arith.cmpi ne, %convert_element_type3A_142, %cond3A_143 : i32
      scf.if %cond3A_144 {
        %mul3A_180 = arith.constant 5000 : i32
        %mul3A_181 = arith.muli %add3A_139, %mul3A_180 : i32
        %add3A_182 = arith.addi %mul3A_2, %mul3A_181 : i32
        %dma_start3A_183 = tpu.memref_slice %arg2[%add3A_182] : memref<6400000xf32, #tpu.memory_space<hbm>> -> memref<5000xf32, #tpu.memory_space<hbm>>
        %dma_start3A_184 = tpu.memref_slice %arg2[%add3A_182] : memref<6400000xf32, #tpu.memory_space<hbm>> -> memref<5000xf32, #tpu.memory_space<hbm>>
        tpu.enqueue_dma source(%dma_start3A_184 : memref<5000xf32, #tpu.memory_space<hbm>>) target(%arg13 : memref<5000xf32, #tpu.memory_space<vmem>>) target_semaphore(%arg30 : memref<!tpu.dma_semaphore, #tpu.memory_space<semaphore_mem>>)
        %dma_start3A_185 = tpu.memref_slice %arg3[%add3A_182] : memref<6400000xf32, #tpu.memory_space<hbm>> -> memref<5000xf32, #tpu.memory_space<hbm>>
        %dma_start3A_186 = tpu.memref_slice %arg3[%add3A_182] : memref<6400000xf32, #tpu.memory_space<hbm>> -> memref<5000xf32, #tpu.memory_space<hbm>>
        tpu.enqueue_dma source(%dma_start3A_186 : memref<5000xf32, #tpu.memory_space<hbm>>) target(%arg14 : memref<5000xf32, #tpu.memory_space<vmem>>) target_semaphore(%arg30 : memref<!tpu.dma_semaphore, #tpu.memory_space<semaphore_mem>>)
        %dma_start3A_187 = tpu.memref_slice %arg4[%add3A_182] : memref<6400000xf32, #tpu.memory_space<hbm>> -> memref<5000xf32, #tpu.memory_space<hbm>>
        %dma_start3A_188 = tpu.memref_slice %arg4[%add3A_182] : memref<6400000xf32, #tpu.memory_space<hbm>> -> memref<5000xf32, #tpu.memory_space<hbm>>
        tpu.enqueue_dma source(%dma_start3A_188 : memref<5000xf32, #tpu.memory_space<hbm>>) target(%arg15 : memref<5000xf32, #tpu.memory_space<vmem>>) target_semaphore(%arg30 : memref<!tpu.dma_semaphore, #tpu.memory_space<semaphore_mem>>)
        %dma_start3A_189 = tpu.memref_slice %arg5[%add3A_182] : memref<6400000xf32, #tpu.memory_space<hbm>> -> memref<5000xf32, #tpu.memory_space<hbm>>
        %dma_start3A_190 = tpu.memref_slice %arg5[%add3A_182] : memref<6400000xf32, #tpu.memory_space<hbm>> -> memref<5000xf32, #tpu.memory_space<hbm>>
        tpu.enqueue_dma source(%dma_start3A_190 : memref<5000xf32, #tpu.memory_space<hbm>>) target(%arg16 : memref<5000xf32, #tpu.memory_space<vmem>>) target_semaphore(%arg30 : memref<!tpu.dma_semaphore, #tpu.memory_space<semaphore_mem>>)
        %dma_start3A_191 = tpu.memref_slice %arg6[%add3A_182] : memref<6400000xi32, #tpu.memory_space<hbm>> -> memref<5000xi32, #tpu.memory_space<hbm>>
        %dma_start3A_192 = tpu.memref_slice %arg6[%add3A_182] : memref<6400000xi32, #tpu.memory_space<hbm>> -> memref<5000xi32, #tpu.memory_space<hbm>>
        tpu.enqueue_dma source(%dma_start3A_192 : memref<5000xi32, #tpu.memory_space<hbm>>) target(%arg17 : memref<5000xi32, #tpu.memory_space<vmem>>) target_semaphore(%arg30 : memref<!tpu.dma_semaphore, #tpu.memory_space<semaphore_mem>>)
      } else {
      }
      %parallel_loop3A_145 = arith.constant 0 : i32
      %parallel_loop3A_146 = arith.constant 312 : i32
      %parallel_loop3A_147 = arith.constant 1 : i32
      scf.for %parallel_loop3A_180 = %parallel_loop3A_145 to %parallel_loop3A_146 step %parallel_loop3A_147  : i32 {
        %parallel_loop3A_181 = arith.constant 16 : i32
        %parallel_loop3A_182 = arith.muli %parallel_loop3A_180, %parallel_loop3A_181 : i32
        %parallel_loop3A_183 = arith.index_cast %parallel_loop3A_182 : i32 to index
        %parallel_loop3A_184 = tpu.vector_load %arg18[%parallel_loop3A_183] {strides = array<i32>} : memref<5000xf32, #tpu.memory_space<vmem>>, vector<16xf32>,
        %parallel_loop3A_185 = arith.index_cast %parallel_loop3A_182 : i32 to index
        %parallel_loop3A_186 = tpu.vector_load %arg19[%parallel_loop3A_185] {strides = array<i32>} : memref<5000xf32, #tpu.memory_space<vmem>>, vector<16xf32>,
        %parallel_loop3A_187 = arith.index_cast %parallel_loop3A_182 : i32 to index
        %parallel_loop3A_188 = tpu.vector_load %arg20[%parallel_loop3A_187] {strides = array<i32>} : memref<5000xf32, #tpu.memory_space<vmem>>, vector<16xf32>,
        %parallel_loop3A_189 = arith.index_cast %parallel_loop3A_182 : i32 to index
        %parallel_loop3A_190 = tpu.vector_load %arg21[%parallel_loop3A_189] {strides = array<i32>} : memref<5000xf32, #tpu.memory_space<vmem>>, vector<16xf32>,
        %parallel_loop3A_191 = arith.index_cast %parallel_loop3A_182 : i32 to index
        %parallel_loop3A_192 = tpu.vector_load %arg22[%parallel_loop3A_191] {strides = array<i32>} : memref<5000xi32, #tpu.memory_space<vmem>>, vector<16xi32>,
        %parallel_loop3A_193 = arith.constant 9.99999997E-7 : f32
        %parallel_loop3A_194 = vector.broadcast %parallel_loop3A_193 : f32 to vector<16xf32>
        %parallel_loop3A_195 = arith.maximumf %parallel_loop3A_184, %parallel_loop3A_194 : vector<16xf32>
        %parallel_loop3A_196 = arith.constant 1.000000e+00 : f32
        %parallel_loop3A_197 = vector.broadcast %parallel_loop3A_196 : f32 to vector<16xf32>
        %parallel_loop3A_198 = arith.divf %parallel_loop3A_197, %parallel_loop3A_195 : vector<16xf32>
        %parallel_loop3A_199 = arith.constant 9.99999997E-7 : f32
        %parallel_loop3A_200 = vector.broadcast %parallel_loop3A_199 : f32 to vector<16xf32>
        %parallel_loop3A_201 = arith.maximumf %parallel_loop3A_190, %parallel_loop3A_200 : vector<16xf32>
        %parallel_loop3A_202 = arith.mulf %parallel_loop3A_188, %parallel_loop3A_201 : vector<16xf32>
        %parallel_loop3A_203 = arith.mulf %parallel_loop3A_202, %parallel_loop3A_198 : vector<16xf32>
        %parallel_loop3A_204 = arith.mulf %parallel_loop3A_198, %parallel_loop3A_198 : vector<16xf32>
        %parallel_loop3A_205 = arith.mulf %parallel_loop3A_203, %parallel_loop3A_203 : vector<16xf32>
        %parallel_loop3A_206 = arith.mulf %parallel_loop3A_205, %parallel_loop3A_203 : vector<16xf32>
        %parallel_loop3A_207 = arith.constant 5.000000e-01 : f32
        %parallel_loop3A_208 = vector.broadcast %parallel_loop3A_207 : f32 to vector<16xf32>
        %parallel_loop3A_209 = arith.mulf %parallel_loop3A_208, %parallel_loop3A_186 : vector<16xf32>
        %parallel_loop3A_210 = arith.mulf %parallel_loop3A_204, %parallel_loop3A_204 : vector<16xf32>
        %parallel_loop3A_211 = arith.mulf %parallel_loop3A_209, %parallel_loop3A_210 : vector<16xf32>
        %parallel_loop3A_212 = arith.constant 0.000000e+00 : f32
        %parallel_loop3A_213 = vector.broadcast %parallel_loop3A_212 : f32 to vector<16xf32>
        %parallel_loop3A_214 = arith.subf %parallel_loop3A_213, %parallel_loop3A_206 : vector<16xf32>
        %parallel_loop3A_215 = math.exp %parallel_loop3A_214 : vector<16xf32>
        %parallel_loop3A_216 = arith.mulf %parallel_loop3A_211, %parallel_loop3A_215 : vector<16xf32>
        %parallel_loop3A_217 = arith.constant true
        %parallel_loop3A_218 = vector.broadcast %parallel_loop3A_217 : i1 to vector<16xi1>
        %parallel_loop3A_219 = tpu.scan <sum>, %parallel_loop3A_216 masked %parallel_loop3A_218 : vector<16xf32>, vector<16xi1> -> vector<16xf32>
        %parallel_loop3A_220 = arith.constant 0 : i32
        %parallel_loop3A_221 = vector.broadcast %parallel_loop3A_220 : i32 to vector<16xi32>
        %parallel_loop3A_222 = arith.cmpi slt, %min3A_7, %parallel_loop3A_221 : vector<16xi32>
        %parallel_loop3A_223 = arith.constant 16 : i32
        %parallel_loop3A_224 = vector.broadcast %parallel_loop3A_223 : i32 to vector<16xi32>
        %parallel_loop3A_225 = arith.addi %min3A_7, %parallel_loop3A_224 : vector<16xi32>
        %parallel_loop3A_226 = arith.select %parallel_loop3A_222, %parallel_loop3A_225, %min3A_7 : vector<16xi1>, vector<16xi32>
        %parallel_loop3A_227 = vector.shape_cast %parallel_loop3A_226 : vector<16xi32> to vector<16x1xi32>
        %parallel_loop3A_228 = vector.shape_cast %parallel_loop3A_227 : vector<16x1xi32> to vector<16xi32>
        %parallel_loop3A_229 = tpu.dynamic_gather %parallel_loop3A_192[%parallel_loop3A_228] in [0] : vector<16xi32>, vector<16xi32> -> vector<16xi32>
        %parallel_loop3A_230 = arith.cmpi ne, %parallel_loop3A_192, %parallel_loop3A_229 : vector<16xi32>
        %parallel_loop3A_231 = arith.ori %parallel_loop3A_230, %eq3A_9 : vector<16xi1>
        tpu.vector_store_idx %arg28[%parallel_loop3A_192], %parallel_loop3A_219 masked %parallel_loop3A_231 {add = true} : memref<4096xf32, #tpu.memory_space<vmem>>[vector<16xi32>], vector<16xf32>, vector<16xi1>
        %parallel_loop3A_232 = arith.constant 0.000000e+00 : f32
        %parallel_loop3A_233 = vector.broadcast %parallel_loop3A_232 : f32 to vector<16xf32>
        %parallel_loop3A_234 = arith.subf %parallel_loop3A_233, %parallel_loop3A_219 : vector<16xf32>
        tpu.vector_store_idx %arg28[%parallel_loop3A_229], %parallel_loop3A_234 masked %parallel_loop3A_230 {add = true} : memref<4096xf32, #tpu.memory_space<vmem>>[vector<16xi32>], vector<16xf32>, vector<16xi1>
      } {sc.loop_unroll_factor = 8 : i64, sc.parallel_access}
      %add3A_148 = arith.constant 3 : i32
      %add3A_149 = arith.addi %mul3A_55, %add3A_148 : i32
      %dma_wait3A_150 = arith.constant 0 : i32
      %dma_wait3A_151 = tpu.memref_slice %arg2[%dma_wait3A_150] : memref<6400000xf32, #tpu.memory_space<hbm>> -> memref<5000xf32, #tpu.memory_space<hbm>>
      %dma_wait3A_152 = arith.constant 0 : i32
      %dma_wait3A_153 = tpu.memref_slice %arg2[%dma_wait3A_152] : memref<6400000xf32, #tpu.memory_space<hbm>> -> memref<5000xf32, #tpu.memory_space<hbm>>
      tpu.wait_dma2 semaphore(%arg32 : memref<!tpu.dma_semaphore, #tpu.memory_space<semaphore_mem>>) src(%dma_wait3A_153 : memref<5000xf32, #tpu.memory_space<hbm>>) dst(%arg23 : memref<5000xf32, #tpu.memory_space<vmem>>)
      %dma_wait3A_154 = arith.constant 0 : i32
      %dma_wait3A_155 = tpu.memref_slice %arg3[%dma_wait3A_154] : memref<6400000xf32, #tpu.memory_space<hbm>> -> memref<5000xf32, #tpu.memory_space<hbm>>
      %dma_wait3A_156 = arith.constant 0 : i32
      %dma_wait3A_157 = tpu.memref_slice %arg3[%dma_wait3A_156] : memref<6400000xf32, #tpu.memory_space<hbm>> -> memref<5000xf32, #tpu.memory_space<hbm>>
      tpu.wait_dma2 semaphore(%arg32 : memref<!tpu.dma_semaphore, #tpu.memory_space<semaphore_mem>>) src(%dma_wait3A_157 : memref<5000xf32, #tpu.memory_space<hbm>>) dst(%arg24 : memref<5000xf32, #tpu.memory_space<vmem>>)
      %dma_wait3A_158 = arith.constant 0 : i32
      %dma_wait3A_159 = tpu.memref_slice %arg4[%dma_wait3A_158] : memref<6400000xf32, #tpu.memory_space<hbm>> -> memref<5000xf32, #tpu.memory_space<hbm>>
      %dma_wait3A_160 = arith.constant 0 : i32
      %dma_wait3A_161 = tpu.memref_slice %arg4[%dma_wait3A_160] : memref<6400000xf32, #tpu.memory_space<hbm>> -> memref<5000xf32, #tpu.memory_space<hbm>>
      tpu.wait_dma2 semaphore(%arg32 : memref<!tpu.dma_semaphore, #tpu.memory_space<semaphore_mem>>) src(%dma_wait3A_161 : memref<5000xf32, #tpu.memory_space<hbm>>) dst(%arg25 : memref<5000xf32, #tpu.memory_space<vmem>>)
      %dma_wait3A_162 = arith.constant 0 : i32
      %dma_wait3A_163 = tpu.memref_slice %arg5[%dma_wait3A_162] : memref<6400000xf32, #tpu.memory_space<hbm>> -> memref<5000xf32, #tpu.memory_space<hbm>>
      %dma_wait3A_164 = arith.constant 0 : i32
      %dma_wait3A_165 = tpu.memref_slice %arg5[%dma_wait3A_164] : memref<6400000xf32, #tpu.memory_space<hbm>> -> memref<5000xf32, #tpu.memory_space<hbm>>
      tpu.wait_dma2 semaphore(%arg32 : memref<!tpu.dma_semaphore, #tpu.memory_space<semaphore_mem>>) src(%dma_wait3A_165 : memref<5000xf32, #tpu.memory_space<hbm>>) dst(%arg26 : memref<5000xf32, #tpu.memory_space<vmem>>)
      %dma_wait3A_166 = arith.constant 0 : i32
      %dma_wait3A_167 = tpu.memref_slice %arg6[%dma_wait3A_166] : memref<6400000xi32, #tpu.memory_space<hbm>> -> memref<5000xi32, #tpu.memory_space<hbm>>
      %dma_wait3A_168 = arith.constant 0 : i32
      %dma_wait3A_169 = tpu.memref_slice %arg6[%dma_wait3A_168] : memref<6400000xi32, #tpu.memory_space<hbm>> -> memref<5000xi32, #tpu.memory_space<hbm>>
      tpu.wait_dma2 semaphore(%arg32 : memref<!tpu.dma_semaphore, #tpu.memory_space<semaphore_mem>>) src(%dma_wait3A_169 : memref<5000xi32, #tpu.memory_space<hbm>>) dst(%arg27 : memref<5000xi32, #tpu.memory_space<vmem>>)
      %add3A_170 = arith.constant 3 : i32
      %add3A_171 = arith.addi %add3A_149, %add3A_170 : i32
      %lt3A_172 = arith.constant 40 : i32
      %lt3A_173 = arith.cmpi slt, %add3A_171, %lt3A_172 : i32
      %convert_element_type3A_174 = arith.extui %lt3A_173 : i1 to i32
      %cond3A_175 = arith.constant 0 : i32
      %cond3A_176 = arith.cmpi ne, %convert_element_type3A_174, %cond3A_175 : i32
      scf.if %cond3A_176 {
        %mul3A_180 = arith.constant 5000 : i32
        %mul3A_181 = arith.muli %add3A_171, %mul3A_180 : i32
        %add3A_182 = arith.addi %mul3A_2, %mul3A_181 : i32
        %dma_start3A_183 = tpu.memref_slice %arg2[%add3A_182] : memref<6400000xf32, #tpu.memory_space<hbm>> -> memref<5000xf32, #tpu.memory_space<hbm>>
        %dma_start3A_184 = tpu.memref_slice %arg2[%add3A_182] : memref<6400000xf32, #tpu.memory_space<hbm>> -> memref<5000xf32, #tpu.memory_space<hbm>>
        tpu.enqueue_dma source(%dma_start3A_184 : memref<5000xf32, #tpu.memory_space<hbm>>) target(%arg18 : memref<5000xf32, #tpu.memory_space<vmem>>) target_semaphore(%arg31 : memref<!tpu.dma_semaphore, #tpu.memory_space<semaphore_mem>>)
        %dma_start3A_185 = tpu.memref_slice %arg3[%add3A_182] : memref<6400000xf32, #tpu.memory_space<hbm>> -> memref<5000xf32, #tpu.memory_space<hbm>>
        %dma_start3A_186 = tpu.memref_slice %arg3[%add3A_182] : memref<6400000xf32, #tpu.memory_space<hbm>> -> memref<5000xf32, #tpu.memory_space<hbm>>
        tpu.enqueue_dma source(%dma_start3A_186 : memref<5000xf32, #tpu.memory_space<hbm>>) target(%arg19 : memref<5000xf32, #tpu.memory_space<vmem>>) target_semaphore(%arg31 : memref<!tpu.dma_semaphore, #tpu.memory_space<semaphore_mem>>)
        %dma_start3A_187 = tpu.memref_slice %arg4[%add3A_182] : memref<6400000xf32, #tpu.memory_space<hbm>> -> memref<5000xf32, #tpu.memory_space<hbm>>
        %dma_start3A_188 = tpu.memref_slice %arg4[%add3A_182] : memref<6400000xf32, #tpu.memory_space<hbm>> -> memref<5000xf32, #tpu.memory_space<hbm>>
        tpu.enqueue_dma source(%dma_start3A_188 : memref<5000xf32, #tpu.memory_space<hbm>>) target(%arg20 : memref<5000xf32, #tpu.memory_space<vmem>>) target_semaphore(%arg31 : memref<!tpu.dma_semaphore, #tpu.memory_space<semaphore_mem>>)
        %dma_start3A_189 = tpu.memref_slice %arg5[%add3A_182] : memref<6400000xf32, #tpu.memory_space<hbm>> -> memref<5000xf32, #tpu.memory_space<hbm>>
        %dma_start3A_190 = tpu.memref_slice %arg5[%add3A_182] : memref<6400000xf32, #tpu.memory_space<hbm>> -> memref<5000xf32, #tpu.memory_space<hbm>>
        tpu.enqueue_dma source(%dma_start3A_190 : memref<5000xf32, #tpu.memory_space<hbm>>) target(%arg21 : memref<5000xf32, #tpu.memory_space<vmem>>) target_semaphore(%arg31 : memref<!tpu.dma_semaphore, #tpu.memory_space<semaphore_mem>>)
        %dma_start3A_191 = tpu.memref_slice %arg6[%add3A_182] : memref<6400000xi32, #tpu.memory_space<hbm>> -> memref<5000xi32, #tpu.memory_space<hbm>>
        %dma_start3A_192 = tpu.memref_slice %arg6[%add3A_182] : memref<6400000xi32, #tpu.memory_space<hbm>> -> memref<5000xi32, #tpu.memory_space<hbm>>
        tpu.enqueue_dma source(%dma_start3A_192 : memref<5000xi32, #tpu.memory_space<hbm>>) target(%arg22 : memref<5000xi32, #tpu.memory_space<vmem>>) target_semaphore(%arg31 : memref<!tpu.dma_semaphore, #tpu.memory_space<semaphore_mem>>)
      } else {
      }
      %parallel_loop3A_177 = arith.constant 0 : i32
      %parallel_loop3A_178 = arith.constant 312 : i32
      %parallel_loop3A_179 = arith.constant 1 : i32
      scf.for %parallel_loop3A_180 = %parallel_loop3A_177 to %parallel_loop3A_178 step %parallel_loop3A_179  : i32 {
        %parallel_loop3A_181 = arith.constant 16 : i32
        %parallel_loop3A_182 = arith.muli %parallel_loop3A_180, %parallel_loop3A_181 : i32
        %parallel_loop3A_183 = arith.index_cast %parallel_loop3A_182 : i32 to index
        %parallel_loop3A_184 = tpu.vector_load %arg23[%parallel_loop3A_183] {strides = array<i32>} : memref<5000xf32, #tpu.memory_space<vmem>>, vector<16xf32>,
        %parallel_loop3A_185 = arith.index_cast %parallel_loop3A_182 : i32 to index
        %parallel_loop3A_186 = tpu.vector_load %arg24[%parallel_loop3A_185] {strides = array<i32>} : memref<5000xf32, #tpu.memory_space<vmem>>, vector<16xf32>,
        %parallel_loop3A_187 = arith.index_cast %parallel_loop3A_182 : i32 to index
        %parallel_loop3A_188 = tpu.vector_load %arg25[%parallel_loop3A_187] {strides = array<i32>} : memref<5000xf32, #tpu.memory_space<vmem>>, vector<16xf32>,
        %parallel_loop3A_189 = arith.index_cast %parallel_loop3A_182 : i32 to index
        %parallel_loop3A_190 = tpu.vector_load %arg26[%parallel_loop3A_189] {strides = array<i32>} : memref<5000xf32, #tpu.memory_space<vmem>>, vector<16xf32>,
        %parallel_loop3A_191 = arith.index_cast %parallel_loop3A_182 : i32 to index
        %parallel_loop3A_192 = tpu.vector_load %arg27[%parallel_loop3A_191] {strides = array<i32>} : memref<5000xi32, #tpu.memory_space<vmem>>, vector<16xi32>,
        %parallel_loop3A_193 = arith.constant 9.99999997E-7 : f32
        %parallel_loop3A_194 = vector.broadcast %parallel_loop3A_193 : f32 to vector<16xf32>
        %parallel_loop3A_195 = arith.maximumf %parallel_loop3A_184, %parallel_loop3A_194 : vector<16xf32>
        %parallel_loop3A_196 = arith.constant 1.000000e+00 : f32
        %parallel_loop3A_197 = vector.broadcast %parallel_loop3A_196 : f32 to vector<16xf32>
        %parallel_loop3A_198 = arith.divf %parallel_loop3A_197, %parallel_loop3A_195 : vector<16xf32>
        %parallel_loop3A_199 = arith.constant 9.99999997E-7 : f32
        %parallel_loop3A_200 = vector.broadcast %parallel_loop3A_199 : f32 to vector<16xf32>
        %parallel_loop3A_201 = arith.maximumf %parallel_loop3A_190, %parallel_loop3A_200 : vector<16xf32>
        %parallel_loop3A_202 = arith.mulf %parallel_loop3A_188, %parallel_loop3A_201 : vector<16xf32>
        %parallel_loop3A_203 = arith.mulf %parallel_loop3A_202, %parallel_loop3A_198 : vector<16xf32>
        %parallel_loop3A_204 = arith.mulf %parallel_loop3A_198, %parallel_loop3A_198 : vector<16xf32>
        %parallel_loop3A_205 = arith.mulf %parallel_loop3A_203, %parallel_loop3A_203 : vector<16xf32>
        %parallel_loop3A_206 = arith.mulf %parallel_loop3A_205, %parallel_loop3A_203 : vector<16xf32>
        %parallel_loop3A_207 = arith.constant 5.000000e-01 : f32
        %parallel_loop3A_208 = vector.broadcast %parallel_loop3A_207 : f32 to vector<16xf32>
        %parallel_loop3A_209 = arith.mulf %parallel_loop3A_208, %parallel_loop3A_186 : vector<16xf32>
        %parallel_loop3A_210 = arith.mulf %parallel_loop3A_204, %parallel_loop3A_204 : vector<16xf32>
        %parallel_loop3A_211 = arith.mulf %parallel_loop3A_209, %parallel_loop3A_210 : vector<16xf32>
        %parallel_loop3A_212 = arith.constant 0.000000e+00 : f32
        %parallel_loop3A_213 = vector.broadcast %parallel_loop3A_212 : f32 to vector<16xf32>
        %parallel_loop3A_214 = arith.subf %parallel_loop3A_213, %parallel_loop3A_206 : vector<16xf32>
        %parallel_loop3A_215 = math.exp %parallel_loop3A_214 : vector<16xf32>
        %parallel_loop3A_216 = arith.mulf %parallel_loop3A_211, %parallel_loop3A_215 : vector<16xf32>
        %parallel_loop3A_217 = arith.constant true
        %parallel_loop3A_218 = vector.broadcast %parallel_loop3A_217 : i1 to vector<16xi1>
        %parallel_loop3A_219 = tpu.scan <sum>, %parallel_loop3A_216 masked %parallel_loop3A_218 : vector<16xf32>, vector<16xi1> -> vector<16xf32>
        %parallel_loop3A_220 = arith.constant 0 : i32
        %parallel_loop3A_221 = vector.broadcast %parallel_loop3A_220 : i32 to vector<16xi32>
        %parallel_loop3A_222 = arith.cmpi slt, %min3A_7, %parallel_loop3A_221 : vector<16xi32>
        %parallel_loop3A_223 = arith.constant 16 : i32
        %parallel_loop3A_224 = vector.broadcast %parallel_loop3A_223 : i32 to vector<16xi32>
        %parallel_loop3A_225 = arith.addi %min3A_7, %parallel_loop3A_224 : vector<16xi32>
        %parallel_loop3A_226 = arith.select %parallel_loop3A_222, %parallel_loop3A_225, %min3A_7 : vector<16xi1>, vector<16xi32>
        %parallel_loop3A_227 = vector.shape_cast %parallel_loop3A_226 : vector<16xi32> to vector<16x1xi32>
        %parallel_loop3A_228 = vector.shape_cast %parallel_loop3A_227 : vector<16x1xi32> to vector<16xi32>
        %parallel_loop3A_229 = tpu.dynamic_gather %parallel_loop3A_192[%parallel_loop3A_228] in [0] : vector<16xi32>, vector<16xi32> -> vector<16xi32>
        %parallel_loop3A_230 = arith.cmpi ne, %parallel_loop3A_192, %parallel_loop3A_229 : vector<16xi32>
        %parallel_loop3A_231 = arith.ori %parallel_loop3A_230, %eq3A_9 : vector<16xi1>
        tpu.vector_store_idx %arg28[%parallel_loop3A_192], %parallel_loop3A_219 masked %parallel_loop3A_231 {add = true} : memref<4096xf32, #tpu.memory_space<vmem>>[vector<16xi32>], vector<16xf32>, vector<16xi1>
        %parallel_loop3A_232 = arith.constant 0.000000e+00 : f32
        %parallel_loop3A_233 = vector.broadcast %parallel_loop3A_232 : f32 to vector<16xf32>
        %parallel_loop3A_234 = arith.subf %parallel_loop3A_233, %parallel_loop3A_219 : vector<16xf32>
        tpu.vector_store_idx %arg28[%parallel_loop3A_229], %parallel_loop3A_234 masked %parallel_loop3A_230 {add = true} : memref<4096xf32, #tpu.memory_space<vmem>>[vector<16xi32>], vector<16xf32>, vector<16xi1>
      } {sc.loop_unroll_factor = 8 : i64, sc.parallel_access}
    }
    %scan3A_52 = arith.constant 10 : i32
    "tpu.region"() ({
      %run_scoped3A = tpu.sem_alloc : memref<!tpu.dma_semaphore, #tpu.memory_space<semaphore_mem>>
      %dma_start3A_53 = arith.constant 0 : i32
      %dma_start3A_54 = tpu.memref_slice %arg7[%add3A, %dma_start3A_53] : memref<32x4096xf32, #tpu.memory_space<hbm>> -> memref<1x4096xf32, #tpu.memory_space<hbm>>
      %dma_start3A_55 = tpu.memref_squeeze %dma_start3A_54 : memref<1x4096xf32, #tpu.memory_space<hbm>> -> memref<4096xf32, #tpu.memory_space<hbm>>
      %dma_start3A_56 = arith.constant 0 : i32
      %dma_start3A_57 = tpu.memref_slice %arg7[%add3A, %dma_start3A_56] : memref<32x4096xf32, #tpu.memory_space<hbm>> -> memref<1x4096xf32, #tpu.memory_space<hbm>>
      %dma_start3A_58 = tpu.memref_squeeze %dma_start3A_57 : memref<1x4096xf32, #tpu.memory_space<hbm>> -> memref<4096xf32, #tpu.memory_space<hbm>>
      tpu.enqueue_dma source(%arg28 : memref<4096xf32, #tpu.memory_space<vmem>>) target(%dma_start3A_58 : memref<4096xf32, #tpu.memory_space<hbm>>) target_semaphore(%run_scoped3A : memref<!tpu.dma_semaphore, #tpu.memory_space<semaphore_mem>>)
      %dma_wait3A = arith.constant 0 : i32
      %dma_wait3A_59 = tpu.memref_slice %arg7[%add3A, %dma_wait3A] : memref<32x4096xf32, #tpu.memory_space<hbm>> -> memref<1x4096xf32, #tpu.memory_space<hbm>>
      %dma_wait3A_60 = tpu.memref_squeeze %dma_wait3A_59 : memref<1x4096xf32, #tpu.memory_space<hbm>> -> memref<4096xf32, #tpu.memory_space<hbm>>
      %dma_wait3A_61 = arith.constant 0 : i32
      %dma_wait3A_62 = tpu.memref_slice %arg7[%add3A, %dma_wait3A_61] : memref<32x4096xf32, #tpu.memory_space<hbm>> -> memref<1x4096xf32, #tpu.memory_space<hbm>>
      %dma_wait3A_63 = tpu.memref_squeeze %dma_wait3A_62 : memref<1x4096xf32, #tpu.memory_space<hbm>> -> memref<4096xf32, #tpu.memory_space<hbm>>
      tpu.wait_dma2 semaphore(%run_scoped3A : memref<!tpu.dma_semaphore, #tpu.memory_space<semaphore_mem>>) src(%arg28 : memref<4096xf32, #tpu.memory_space<vmem>>) dst(%dma_wait3A_63 : memref<4096xf32, #tpu.memory_space<hbm>>)
      tpu.yield
    }) : () -> ()
    return
  }
}

module attributes {stable_mosaic.version = 14 : i64} {
  func.func @body(%arg0: memref<32x4096xf32, #tpu.memory_space<vmem>>, %arg1: memref<1x4096xf32, #tpu.memory_space<vmem>>) attributes {dimension_semantics = [], scalar_prefetch = 0 : i64, scratch_operands = 0 : i64, tpu.core_type = #tpu.core_type<tc>} {
    %get3A = arith.constant 0 : index
    %get3A_0 = arith.constant 0 : index
    %get3A_1 = vector.load %arg0[%get3A, %get3A_0] : memref<32x4096xf32, #tpu.memory_space<vmem>>, vector<32x4096xf32>
    %reduce_sum3A = arith.constant dense<0.000000e+00> : vector<4096xf32>
    %reduce_sum3A_2 = vector.multi_reduction <add>, %get3A_1, %reduce_sum3A [0] : vector<32x4096xf32> to vector<4096xf32>
    %broadcast_in_dim3A = vector.shape_cast %reduce_sum3A_2 : vector<4096xf32> to vector<1x4096xf32>
    %swap3A = arith.constant 0 : index
    %swap3A_3 = arith.constant 0 : index
    %swap3A_4 = vector.load %arg1[%swap3A, %swap3A_3] : memref<1x4096xf32, #tpu.memory_space<vmem>>, vector<1x4096xf32>
    tpu.vector_store %arg1[%swap3A, %swap3A_3], %broadcast_in_dim3A {strides = array<i32>} : memref<1x4096xf32, #tpu.memory_space<vmem>>, vector<1x4096xf32>,
    return
  }
}

</mosaic_0001>

<sc_bundles>
// kernel: kernel.4.cloned.1.call-start
scs
__scs_entry_jumppad:
0x0: {  	(pc) =	sbr.rel $0x88, $3  }
0x1: {  	(tag) =	ssettag $0x0;
	lr =	simm.s32 $0x1  }
0x2: {  	[smem:$0x3F9C] =	sst lr;
	_ =	strace $0xD0000000  }
0x3: {  	_ = 	snop  }
0x4: {  	_ = 	snop  }
0x5: {  	_ = 	snop  }
0x6: {  	_ = 	snop  }
0x7: {  	_ = 	snop  }
__scs_overlays_trampoline_lowered:
0x8: {  	[smem:$0x3FAB] =	sst s0  }
0x9: {  	[smem:$0x3FAC] =	sst s1  }
0xa: {  	[smem:$0x3FAD] =	sst s2  }
0xb: {  	[smem:$0x3FAE] =	sst s3  }
0xc: {  	[smem:$0x3FAF] =	sst s4  }
0xd: {  	[smem:$0x3FB0] =	sst s5  }
0xe: {  	[smem:$0x3FB1] =	sst s6  }
0xf: {  	[smem:$0x3FB2] =	sst s7  }
0x10: {  	[smem:$0x3FB3] =	sst s8  }
0x11: {  	[smem:$0x3FB4] =	sst s9;
	s0 =	simm.s32 @!p0 $0x0  }
0x12: {  	s1 =	sld [smem:$0x3F9A];
	s0 =	simm.s32 @p0 $0x1  }
0x13: {  	[smem:$0x3FB5] =	sst s0;
	s0 =	simm.s32 @!p1 $0x0  }
0x14: {  	s2 =	sld [smem:$0x3F99];
	s0 =	simm.s32 @p1 $0x1  }
0x15: {  	[smem:$0x3FB6] =	sst s0;
	s0 =	simm.s32 @!p2 $0x0  }
0x16: {  	s3 =	sld [smem:$0x3FDB];
	s0 =	simm.s32 @p2 $0x1  }
0x17: {  	s4 =	simm.s32 $0x1BF5;
	[smem:$0x3FB8] =	sst s0  }
0x18: {  	s0 =	sld [smem:$0x3F9B];
	_ =	swait.ge [sflag:s4], $0x0  }
0x19: {  	s7 =	sld [smem:$0x3F9C]  }
0x1a: {  	s8 =	sadd.s32 $0xFFFFE003, lr  }
0x1b: {  	s9 =	sadd.s32 $0xFFFFFEF7, lr;
	s5 =	simm.s32 $0xFFFFFFFF;
	p2 =	slt.u32 s8, $0xFFFFF086  }
0x1c: {  	p1 =	slt.u32 s9, $0xF7A;
	s5 =	simm.s32 @!p2 $0x0  }
0x1d: {  	s5 =	simm.s32 @p1 $0x1;
	p0 =	seq.s32 s7, s2  }
0x1e: {  	s7 =	smul.u32 @!p0 $0xF7A, s2;
	p2 =	seq.s32 @!p0 s5, $0x0  }
0x1f: {  	s9 =	smul.u32 $0xF7A, s1;
	s8 =	simm.s32 @!p0 $0x1BF5;
	p2 =	por !p2, p0  }
0x20: {  	[sflag:s8] =	ssyncset.s32 @!p0 $0xFFFFF086;
	s6 =	sadd.s32 @!p0 s3, s7;
	s7 =	simm.s32 @!p0 $0x108  }
0x21: {  	s3 =	sadd.s32 s3, s9;
	s6 =	sadd.s32 @!p0 $0x88, s6;
	s7 =	simm.s32 @p2 $0x1082  }
0x22: {  	[simem:s7], [sflag:s8] =	dma.local @!p0 [hbm:s6], $0xF7A  }
0x23: {  	s9 =	sor.u32 $0xD0000000, s2;
	s6 =	simm.s32 $0x108;
	_ =	swait.ge @!p0 [sflag:s8], $0x0  }
0x24: {  	s3 =	sadd.s32 $0x88, s3;
	s6 =	simm.s32 @!p1 $0x1082;
	[sflag:s4] =	ssyncset.s32 $0xFFFFF086  }
0x25: {  	[simem:s6], [sflag:s4] =	dma.local [hbm:s3], $0xF7A  }
0x26: {  	[smem:$0x3F9C] =	sst s1;
	(tag) =	ssettag s2;
	_ =	strace s9  }
0x27: {  	s1 =	sld [smem:$0x3FAC]  }
0x28: {  	s2 =	sld [smem:$0x3FAD]  }
0x29: {  	s4 =	sld [smem:$0x3FAF]  }
0x2a: {  	p0 =	seq.s32 s5, $0x0;
	s5 =	sld [smem:$0x3FB0]  }
0x2b: {  	s6 =	sld [smem:$0x3FB1]  }
0x2c: {  	s7 =	sld [smem:$0x3FB2]  }
0x2d: {  	s3 =	simm.s32 $0x108;
	s8 =	sld [smem:$0x3FB3]  }
0x2e: {  	s3 =	simm.s32 @!p0 $0x1082;
	s9 =	sld [smem:$0x3FB4]  }
0x2f: {  	lr =	sadd.s32 s0, s3;
	s0 =	sld [smem:$0x3FAB]  }
0x30: {  	s3 =	sld [smem:$0x3FAE]  }
0x31: {  	[smem:$0x3FB7] =	sst s10  }
0x32: {  	s10 =	sld [smem:$0x3FB5];
	_ =	sdelay $0x3  }
0x33: {  	p0 =	seq.s32 s10, $0x1;
	s10 =	sld [smem:$0x3FB7];
	_ =	sdelay $0x3  }
0x34: {  	[smem:$0x3FB7] =	sst s10  }
0x35: {  	s10 =	sld [smem:$0x3FB6];
	_ =	sdelay $0x3  }
0x36: {  	p1 =	seq.s32 s10, $0x1;
	s10 =	sld [smem:$0x3FB7];
	_ =	sdelay $0x3  }
0x37: {  	[smem:$0x3FB7] =	sst s10  }
0x38: {  	s10 =	sld [smem:$0x3FB8]  }
0x39: {  	_ = 	snop;
	(pc) =	sbr.ind lr, $3  }
0x3a: {  	_ = 	snop  }
0x3b: {  	_ = 	snop  }
0x3c: {  	p2 =	seq.s32 s10, $0x1;
	s10 =	sld [smem:$0x3FB7]  }
0x3d: {  	_ =	shalt  }
0x3e: {  	_ =	shalt  }
0x3f: {  	_ =	shalt  }
0x40: {  	_ =	shalt  }
0x41: {  	_ =	shalt  }
0x42: {  	_ =	shalt  }
0x43: {  	_ =	shalt  }
0x44: {  	_ =	shalt  }
0x45: {  	_ =	shalt  }
0x46: {  	_ =	shalt  }
0x47: {  	_ =	shalt  }
0x48: {  	_ =	shalt  }
0x49: {  	_ =	shalt  }
0x4a: {  	_ =	shalt  }
0x4b: {  	_ =	shalt  }
0x4c: {  	_ =	shalt  }
0x4d: {  	_ =	shalt  }
0x4e: {  	_ =	shalt  }
0x4f: {  	_ =	shalt  }
0x50: {  	_ =	shalt  }
0x51: {  	_ =	shalt  }
0x52: {  	_ =	shalt  }
0x53: {  	_ =	shalt  }
0x54: {  	_ =	shalt  }
0x55: {  	_ =	shalt  }
0x56: {  	_ =	shalt  }
0x57: {  	_ =	shalt  }
0x58: {  	_ =	shalt  }
0x59: {  	_ =	shalt  }
0x5a: {  	_ =	shalt  }
0x5b: {  	_ =	shalt  }
0x5c: {  	_ =	shalt  }
0x5d: {  	_ =	shalt  }
0x5e: {  	_ =	shalt  }
0x5f: {  	_ =	shalt  }
0x60: {  	_ =	shalt  }
0x61: {  	_ =	shalt  }
0x62: {  	_ =	shalt  }
0x63: {  	_ =	shalt  }
0x64: {  	_ =	shalt  }
0x65: {  	_ =	shalt  }
0x66: {  	_ =	shalt  }
0x67: {  	_ =	shalt  }
0x68: {  	_ =	shalt  }
0x69: {  	_ =	shalt  }
0x6a: {  	_ =	shalt  }
0x6b: {  	_ =	shalt  }
0x6c: {  	_ =	shalt  }
0x6d: {  	_ =	shalt  }
0x6e: {  	_ =	shalt  }
0x6f: {  	_ =	shalt  }
0x70: {  	_ =	shalt  }
0x71: {  	_ =	shalt  }
0x72: {  	_ =	shalt  }
0x73: {  	_ =	shalt  }
0x74: {  	_ =	shalt  }
0x75: {  	_ =	shalt  }
0x76: {  	_ =	shalt  }
0x77: {  	_ =	shalt  }
0x78: {  	_ =	shalt  }
0x79: {  	_ =	shalt  }
0x7a: {  	_ =	shalt  }
0x7b: {  	_ =	shalt  }
0x7c: {  	_ =	shalt  }
0x7d: {  	_ =	shalt  }
0x7e: {  	_ =	shalt  }
0x7f: {  	_ =	shalt  }
0x80: {  	_ =	shalt  }
0x81: {  	_ =	shalt  }
0x82: {  	_ =	shalt  }
0x83: {  	_ =	shalt  }
0x84: {  	_ =	shalt  }
0x85: {  	_ =	shalt  }
0x86: {  	_ =	shalt  }
0x87: {  	_ =	shalt  }
.Lfunc_end0:
.L_simem_size_0:
called_computation_lowered:
.L_overlay_start_0:
0x88: {  	s2 =	sld [smem:$0x3FD9]  }
0x89: {  	s3 =	sld [smem:$0x3FFE];
	_ =	sdelay $0x1  }
0x8a: {  	s1 =	srdreg.scid  }
0x8b: {  	s0 =	sand.u32 $0x1, s1  }
0x8c: {  	s17 =	sshll.u32 s0, $0xA;
	s2 =	sadd.s32 s3, s2  }
0x8d: {  	s2 =	sadd.s32 s2, s17  }
0x8e: {  	[smem:$0x3FC3] =	sst s2  }
0x8f: {  	_ = 	snop  }
0x90: {  	s2 =	sld [smem:$0x3FC9]  }
0x91: {  	s18 =	sld [smem:$0x3FC8]  }
0x92: {  	s4 =	sld [smem:$0x3FC7]  }
0x93: {  	s5 =	sld [smem:$0x3FC6]  }
0x94: {  	s6 =	sld [smem:$0x3FC5];
	(tm) =	ssettm $0x1  }
0x95: {  	s7 =	sld [smem:$0x3FFB];
	_ =	sdelay $0x3  }
0x96: {  	_ =	strace s7  }
0x97: {  	s7 =	sld [smem:$0x3FFC];
	_ =	sdelay $0x3  }
0x98: {  	_ =	strace s7  }
0x99: {  	s7 =	sld [smem:$0x3FFD];
	_ =	sdelay $0x3  }
0x9a: {  	_ =	strace s7  }
0x9b: {  	_ =	strace $0x8FFFFFFF  }
0x9c: {  	s19 =	sld [smem:$0x3FDB];
	_ =	sdelay $0x1  }
0x9d: {  	s8 =	simm.s32 $_scs_section_size  }
0x9e: {  	s9 =	simm.s32 $_size__tile_overlayer_lowered;
	s10 =	simm.s32 $_tile_overlayer_lowered  }
0x9f: {  	s22 =	simm.s32 $0x1BFF;
	s21 =	sshll.u32 s10, $0x1;
	s7 =	sadd.s32 s8, s19  }
0xa0: {  	s11 =	simm.s32 $0x0;
	s20 =	sshll.u32 s9, $0x1;
	s9 =	sadd.s32 s21, s7  }
0xa1: {  	[timem:s11], [sflag:s22] =	dma.local [hbm:s9], s20  }
0xa2: {  	_ =	swait.ge [sflag:s22], s20  }
0xa3: {  	s8 =	ssub.s32 $0x0, s20;
	[sflag:s22] =	ssyncset.done $0x0  }
0xa4: {  	[sflag:s22] =	ssyncadd.s32 s8;
	_ =	sdelay $0x1  }
0xa5: {  	s23 =	simm.s32 $0x1B8B  }
0xa6: {  	_ =	swait.ge [sflag:s23], $0x1  }
0xa7: {  	[sflag:s23] =	ssyncset.done $0x0  }
0xa8: {  	s25 =	simm.s32 $0x1B8E;
	s24 =	sld [smem:$0x3FFE];
	[sflag:s23] =	ssyncadd.s32 $0xFFFFFFFF  }
0xa9: {  	s26 =	simm.s32 $execute0_lowered;
	[smem:$0x3FD2] =	sst s25  }
0xaa: {  	s9 =	sshll.u32 s26, $0x1;
	_ =	strace $0x80000046;
	[dreg:$0x1] =	wrdreg $0xFFFFFFFF  }
0xab: {  	s28 =	simm.s32 $_size_execute0_lowered;
	s7 =	sadd.s32 s7, s9;
	[dreg:$0x0] =	wrdreg $0x0  }
0xac: {  	s9 =	sshll.u32 s28, $0x1;
	[dreg:$0x2] =	wrdreg s7  }
0xad: {  	[dreg:$0x3] =	wrdreg s9  }
0xae: {  	[dreg:$0x4] =	wrdreg $0xC0  }
0xaf: {  	_ =	task [dreg:s11], $0x5FFFF  }
0xb0: {  	[dreg:$0x1] =	wrdreg $0xFFFFFFFF  }
0xb1: {  	[dreg:$0x0] =	wrdreg $0x60  }
0xb2: {  	[dreg:$0x2] =	wrdreg s2  }
0xb3: {  	[dreg:$0x3] =	wrdreg s18  }
0xb4: {  	[dreg:$0x4] =	wrdreg s4  }
0xb5: {  	[dreg:$0x5] =	wrdreg s5  }
0xb6: {  	[dreg:$0x6] =	wrdreg s6  }
0xb7: {  	[dreg:$0x7] =	wrdreg s24  }
0xb8: {  	[dreg:$0x8] =	wrdreg $0x9  }
0xb9: {  	_ =	task.clear_ibuf [dreg:s11], $0x9FFFF;
	_ =	strace $0x90000046  }
0xba: {  	s29 =	simm.s32 $0x9;
	_ =	strace $0x80000048  }
0xbb: {  	_ =	swait.ge [sflag:s29], $0x1  }
0xbc: {  	[sflag:s29] =	ssyncadd.s32 $0xFFFFFFFF  }
0xbd: {  	_ =	strace $0x90000048  }
0xbe: {  	_ =	sfence  }
0xbf: {  	s30 =	sld [smem:$0x0];
	_ =	sdelay $0x2  }
0xc0: {  	s31 =	sshll.u32 s1, $0xD;
	s1 =	sshrl.u32 s1, $0x2  }
0xc1: {  	s3 =	sand.u32 $0x4000, s31;
	s1 =	sadd.s32 s1, s30  }
0xc2: {  	s0 =	sor.u32 s3, s0;
	s1 =	sshll.u32 s1, $0x11  }
0xc3: {  	s0 =	sor.u32 s1, s0  }
0xc4: {  	s0 =	sadd.s32 $0x8F2B, s0  }
0xc5: {  	[sflag:s0] =	ssyncadd.remote.s32 $0x1  }
0xc6: {  	_ =	sfence.sel $0xFFFF  }
0xc7: {  	[dreg:$0x0] =	wrdreg $0xFFFFFFFF;
	(pc) =	sbr.abs _section_cstart, $3  }
0xc8: {  	[dreg:$0x1] =	wrdreg $0xFFFFFFFF  }
0xc9: {  	_ =	task.clear_ibuf [dreg:s11], $0x2FFFF;
	_ =	strace $0x9FFFFFFF  }
0xca: {  	(tm) =	ssettm $0x7FFFFFFF  }
0xcb: {  	_ =	shalt  }
tec
execute0_lowered:
.L_overlay_start_1:
0x0: {  	(tag) =	ssettag $0x1  }
0x1: {  	s0 =	rddreg [dreg:$0x0]  }
0x2: {  	s1 =	rddreg [dreg:$0x1]  }
0x3: {  	s2 =	rddreg [dreg:$0x2]  }
0x4: {  	s3 =	rddreg [dreg:$0x3]  }
0x5: {  	s4 =	srdreg.scid;
	s6 =	rddreg [dreg:$0x4]  }
0x6: {  	s5 =	rddreg [dreg:$0x5];
	s4 =	sand.u32 $0x1, s4  }
0x7: {  	s10 =	stileid.u32;
	s7 =	simm.s32 $0x0;
	s8 =	sshll.u32 s4, $0x4  }
0x8: {  	s30 =	simm.s32 $0x14000;
	s4 =	ssub.s32 $0x2, s4;
	s8 =	sor.u32 s10, s8  }
0x9: {  	[smem:$0x7FF] =	sst s7;
	s11 =	sshrl.u32 s4, $0x1;
	s9 =	smul.u32 $0x30D40, s8  }
0xa: {  	_ =	strace $0x80000047;
	s10 =	sshll.u32 s10, $0x4;
	s4 =	ssub.s32 s4, s11  }
0xb: {  	s10 =	sand.u32 $0x70, s10;
	s4 =	smax.u32 s4, $0x1;
	s12 =	sshrl.u32 s9, $0x3  }
0xc: {  	s8 =	sshll.u32 s8, $0x9;
	[dreg:$0x17] =	wrdreg s4;
	s13 =	sadd.s32 s0, s12  }
0xd: {  	s5 =	sadd.s32 s10, s5;
	s14 =	sadd.s32 s1, s12;
	[dreg:$0x7] =	wrdreg s13  }
0xe: {  	s8 =	sand.u32 $0x3000, s8;
	s15 =	sadd.s32 s2, s12;
	[dreg:$0x8] =	wrdreg s14  }
0xf: {  	s16 =	sadd.s32 $0x1388, s9;
	s17 =	sadd.s32 s3, s12;
	[dreg:$0x9] =	wrdreg s15  }
0x10: {  	s5 =	sadd.s32 s8, s5;
	s18 =	sadd.s32 s6, s12;
	[dreg:$0xa] =	wrdreg s17  }
0x11: {  	s10 =	sshrl.u32 s16, $0x3;
	s5 =	sadd.s32 $0x600, s5;
	[dreg:$0xb] =	wrdreg s18  }
0x12: {  	s31 =	simm.s32 $0x15400;
	s19 =	sadd.s32 s0, s10;
	[dreg:$0x16] =	wrdreg s5  }
0x13: {  	s11 =	simm.s32 $0x2;
	s20 =	sadd.s32 s1, s10;
	[dreg:$0xc] =	wrdreg s19  }
0x14: {  	s4 =	simm.s32 $0x1;
	s21 =	sadd.s32 s2, s10;
	[dreg:$0xd] =	wrdreg s20  }
0x15: {  	s8 =	simm.s32 $0x16800;
	s22 =	sadd.s32 s3, s10;
	[dreg:$0xe] =	wrdreg s21  }
0x16: {  	v0 =	vimm.s32 $0xFFEDCBA9;
	v1 =	vimm.s32 $0x87654321;
	s23 =	sadd.s32 $0x4E2, s12;
	s10 =	sadd.s32 s6, s10;
	[dreg:$0xf] =	wrdreg s22  }
0x17: {  	v0 =	vunpack.c.l.s4.s8 v0;
	v1 =	vunpack.c.l.s4.s8 v1;
	s12 =	simm.s32 $0x3;
	s24 =	sadd.s32 s0, s23;
	[dreg:$0x10] =	wrdreg s10  }
0x18: {  	s25 =	sadd.s32 s1, s23;
	s26 =	sadd.s32 s2, s23;
	[dreg:$0x11] =	wrdreg s24  }
0x19: {  	v0 =	vunpack.c.0.s8.s32 v0;
	v1 =	vunpack.c.0.s8.s32 v1;
	s28 =	sadd.s32 s3, s23;
	s29 =	sadd.s32 s6, s23;
	[dreg:$0x12] =	wrdreg s25  }
0x1a: {  	s23 =	sadd.s32 $0x3A98, s9;
	s5 =	simm.s32 $0x12C00;
	[dreg:$0x13] =	wrdreg s26  }
0x1b: {  	v1 =	vcombine.low v1, v0;
	s13 =	simm.s32 $0x4;
	s15 =	simm.s32 $0x0;
	[dreg:$0x14] =	wrdreg s28  }
0x1c: {  	[dreg:$0x15] =	wrdreg s29;
	s24 =	sadd.s32 $0x4E20, s9;
	s25 =	sadd.s32 $0x61A8, s9  }
0x1d: {  	vm0 =	vcmask $0x3F3C;
	v0 =	vimm.f32 $0.0e+00;
	v1 =	vand.u32 $0xF, v1;
	s26 =	sadd.s32 $0x7530, s9;
	s9 =	simm.s32 $0x17C00;
	s10 =	simm.s32 $0x19000  }
.LBB2_1:
0x1e: {  	s14 =	rddreg [dreg:$0x7]  }
0x1f: {  	[tilespmem:s7], [sflag:$0x1] =	stream.linear.gather [hbm4b:s14+s7], $0x1388, $0x38;
	[tilespmem:$0x1A000] =	vst v63  }
0x20: {  	s22 =	rddreg [dreg:$0x8];
	s16 =	simm.s32 $0x1400  }
0x21: {  	[tilespmem:s16], [sflag:$0x1] =	stream.linear.gather [hbm4b:s22+s7], $0x1388, $0x38;
	[tilespmem:$0x1A000] =	vst v63  }
0x22: {  	s28 =	rddreg [dreg:$0x9];
	s29 =	simm.s32 $0x2800  }
0x23: {  	[tilespmem:s29], [sflag:$0x1] =	stream.linear.gather [hbm4b:s28+s7], $0x1388, $0x38;
	[tilespmem:$0x1A000] =	vst v63  }
0x24: {  	s17 =	rddreg [dreg:$0xa];
	s18 =	simm.s32 $0x3C00  }
0x25: {  	[tilespmem:s18], [sflag:$0x1] =	stream.linear.gather [hbm4b:s17+s7], $0x1388, $0x38;
	[tilespmem:$0x1A000] =	vst v63  }
0x26: {  	s19 =	rddreg [dreg:$0xb];
	s20 =	simm.s32 $0x5000  }
0x27: {  	[tilespmem:s20], [sflag:$0x1] =	stream.linear.gather [hbm4b:s19+s7], $0x1388, $0x38;
	[tilespmem:$0x1A000] =	vst v63  }
0x28: {  	s21 =	rddreg [dreg:$0xc];
	s22 =	simm.s32 $0x6400  }
0x29: {  	[tilespmem:s22], [sflag:$0x2] =	stream.linear.gather [hbm4b:s21+s7], $0x1388, $0x38;
	[tilespmem:$0x1A000] =	vst v63  }
0x2a: {  	s28 =	rddreg [dreg:$0xd];
	s29 =	simm.s32 $0x7800  }
0x2b: {  	[tilespmem:s29], [sflag:$0x2] =	stream.linear.gather [hbm4b:s28+s7], $0x1388, $0x38;
	[tilespmem:$0x1A000] =	vst v63  }
0x2c: {  	s17 =	rddreg [dreg:$0xe];
	s18 =	simm.s32 $0x8C00  }
0x2d: {  	[tilespmem:s18], [sflag:$0x2] =	stream.linear.gather [hbm4b:s17+s7], $0x1388, $0x38;
	[tilespmem:$0x1A000] =	vst v63  }
0x2e: {  	s19 =	rddreg [dreg:$0xf];
	s20 =	simm.s32 $0xA000  }
0x2f: {  	[tilespmem:s20], [sflag:$0x2] =	stream.linear.gather [hbm4b:s19+s7], $0x1388, $0x38;
	[tilespmem:$0x1A000] =	vst v63  }
0x30: {  	s21 =	rddreg [dreg:$0x10];
	s22 =	simm.s32 $0xB400  }
0x31: {  	[tilespmem:s22], [sflag:$0x2] =	stream.linear.gather [hbm4b:s21+s7], $0x1388, $0x38;
	[tilespmem:$0x1A000] =	vst v63  }
0x32: {  	s28 =	rddreg [dreg:$0x11];
	s29 =	simm.s32 $0xC800  }
0x33: {  	[tilespmem:s29], [sflag:$0x3] =	stream.linear.gather [hbm4b:s28+s7], $0x1388, $0x38;
	[tilespmem:$0x1A000] =	vst v63  }
0x34: {  	s17 =	rddreg [dreg:$0x12];
	s18 =	simm.s32 $0xDC00  }
0x35: {  	[tilespmem:s18], [sflag:$0x3] =	stream.linear.gather [hbm4b:s17+s7], $0x1388, $0x38;
	[tilespmem:$0x1A000] =	vst v63  }
0x36: {  	s19 =	rddreg [dreg:$0x13];
	s20 =	simm.s32 $0xF000  }
0x37: {  	[tilespmem:s20], [sflag:$0x3] =	stream.linear.gather [hbm4b:s19+s7], $0x1388, $0x38;
	[tilespmem:$0x1A000] =	vst v63  }
0x38: {  	s21 =	rddreg [dreg:$0x14];
	s22 =	simm.s32 $0x10400  }
0x39: {  	[tilespmem:s22], [sflag:$0x3] =	stream.linear.gather [hbm4b:s21+s7], $0x1388, $0x38;
	[tilespmem:$0x1A000] =	vst v63  }
0x3a: {  	s14 =	simm.s32 $0x19040;
	s28 =	rddreg [dreg:$0x15];
	s29 =	simm.s32 $0x11800  }
0x3b: {  	[tilespmem:s29], [sflag:$0x3] =	stream.linear.gather [hbm4b:s28+s7], $0x1388, $0x38;
	[tilespmem:$0x1A000] =	vst v63  }
0x3c: {  	[tilespmem:s14+$0xFFFFFFC0] =	vst v0  }
0x3d: {  	[tilespmem:s14+$0x30] =	vst v0  }
0x3e: {  	[tilespmem:s14+$0x20] =	vst v0  }
0x3f: {  	[tilespmem:s14+$0x10] =	vst v0  }
0x40: {  	[tilespmem:s14+$0x0] =	vst v0  }
0x41: {  	[tilespmem:s14+$0xFFFFFFF0] =	vst v0  }
0x42: {  	s16 =	simm.s32 $0x0;
	[tilespmem:s14+$0xFFFFFFE0] =	vst v0  }
.LBB2_2:
0x43: {  	s16 =	sadd.s32 $0x8, s16;
	[tilespmem:s14+$0xFFFFFFD0] =	vst v0;
	s14 =	sadd.s32 $0x80, s14  }
0x44: {  	[tilespmem:s14+$0xFFFFFFC0] =	vst v0;
	p0 =	slt.u32 s16, $0xF8  }
0x45: {  	[tilespmem:s14+$0x30] =	vst v0  }
.Ltmp0:
0x46: {  	[tilespmem:s14+$0x20] =	vst v0;
	(pc) =	sbr.rel @p0 .LBB2_2-.Ltmp0, $4  }
0x47: {  	[tilespmem:s14+$0x10] =	vst v0  }
0x48: {  	[tilespmem:s14+$0x0] =	vst v0  }
0x49: {  	[tilespmem:s14+$0xFFFFFFF0] =	vst v0  }
0x4a: {  	[tilespmem:s14+$0xFFFFFFE0] =	vst v0  }
0x4b: {  	[tilespmem:s14+$0xFFFFFFD0] =	vst v0;
	s16 =	simm.s32 $0x0  }
.LBB2_4:
0x4c: {  	_ =	swait.ge [sflag:s4], $0x1388  }
0x4d: {  	[sflag:s4] =	ssyncset.done $0x0  }
0x4e: {  	[sflag:s4] =	ssyncadd.s32 $0xFFFFEC78  }
0x4f: {  	_ =	swait.ge [sflag:s4], $0x1388  }
0x50: {  	[sflag:s4] =	ssyncset.done $0x0  }
0x51: {  	[sflag:s4] =	ssyncadd.s32 $0xFFFFEC78  }
0x52: {  	_ =	swait.ge [sflag:s4], $0x1388  }
0x53: {  	[sflag:s4] =	ssyncset.done $0x0  }
0x54: {  	[sflag:s4] =	ssyncadd.s32 $0xFFFFEC78  }
0x55: {  	_ =	swait.ge [sflag:s4], $0x1388  }
0x56: {  	s17 =	smul.u32 $0x4E20, s16;
	[sflag:s4] =	ssyncset.done $0x0  }
0x57: {  	[sflag:s4] =	ssyncadd.s32 $0xFFFFEC78  }
0x58: {  	s14 =	sadd.s32 s17, s23;
	_ =	swait.ge [sflag:s4], $0x1388  }
0x59: {  	s14 =	sshrl.u32 s14, $0x3;
	[sflag:s4] =	ssyncset.done $0x0  }
0x5a: {  	s18 =	sadd.s32 s0, s14;
	[sflag:s4] =	ssyncadd.s32 $0xFFFFEC78  }
0x5b: {  	[tilespmem:s5], [sflag:$0x4] =	stream.linear.gather [hbm4b:s18+s7], $0x1388, $0x38;
	[tilespmem:$0x1A000] =	vst v63  }
0x5c: {  	s19 =	sadd.s32 s1, s14  }
0x5d: {  	[tilespmem:s30], [sflag:$0x4] =	stream.linear.gather [hbm4b:s19+s7], $0x1388, $0x38;
	[tilespmem:$0x1A000] =	vst v63  }
0x5e: {  	s20 =	sadd.s32 s2, s14  }
0x5f: {  	[tilespmem:s31], [sflag:$0x4] =	stream.linear.gather [hbm4b:s20+s7], $0x1388, $0x38;
	[tilespmem:$0x1A000] =	vst v63  }
0x60: {  	s21 =	sadd.s32 s3, s14  }
0x61: {  	[tilespmem:s8], [sflag:$0x4] =	stream.linear.gather [hbm4b:s21+s7], $0x1388, $0x38;
	[tilespmem:$0x1A000] =	vst v63  }
0x62: {  	s14 =	sadd.s32 s6, s14;
	s19 =	simm.s32 $0x40  }
0x63: {  	[tilespmem:s9], [sflag:$0x4] =	stream.linear.gather [hbm4b:s14+s7], $0x1388, $0x38;
	[tilespmem:$0x1A000] =	vst v63  }
0x64: {  	s18 =	simm.s32 $0x2840;
	v2 =	vld [tilespmem:s19+$0xFFFFFFD0]  }
0x65: {  	v3 =	vld [tilespmem:s18+$0xFFFFFFF0]  }
0x66: {  	s22 =	simm.s32 $0x3C40;
	v4 =	vld [tilespmem:s18+$0x0]  }
0x67: {  	v5 =	vld [tilespmem:s22+$0x0]  }
0x68: {  	v6 =	vld [tilespmem:s22+$0xFFFFFFF0]  }
0x69: {  	v7 =	vld [tilespmem:s19+$0x20]  }
0x6a: {  	v8 =	vld [tilespmem:s18+$0xFFFFFFD0]  }
0x6b: {  	v9 =	vld [tilespmem:s18+$0x20]  }
0x6c: {  	v10 =	vld [tilespmem:s19+$0x0]  }
0x6d: {  	v11 =	vld [tilespmem:s18+$0x10]  }
0x6e: {  	v12 =	vld [tilespmem:s22+$0xFFFFFFD0]  }
0x6f: {  	v13 =	vld [tilespmem:s22+$0x20]  }
0x70: {  	v14 =	vld [tilespmem:s22+$0x10];
	v7 =	vmax.f32 v7, $9.999999970e-07  }
0x71: {  	v2 =	vmax.f32 v2, $9.999999970e-07;
	(erf) = vrcp.f32 v7;
	v7 =	vld [tilespmem:s22+$0xFFFFFFC0]  }
0x72: {  	v10 =	vmax.f32 v10, $9.999999970e-07;
	(erf) = vrcp.f32 v2;
	v2 =	vld [tilespmem:s18+$0xFFFFFFC0]  }
0x73: {  	(erf) = vrcp.f32 v10;
	v10 =	vld [tilespmem:s19+$0xFFFFFFC0]  }
0x74: {  	v15 =	vld [tilespmem:s19+$0x10];
	v5 =	vmax.f32 v5, $9.999999970e-07  }
0x75: {  	v6 =	vmax.f32 v6, $9.999999970e-07;
	v4 =	vmul.f32 v5, v4;
	v5 =	vmax.f32 v13, $9.999999970e-07  }
0x76: {  	v3 =	vmul.f32 v6, v3;
	v6 =	vld [tilespmem:s19+$0xFFFFFFF0];
	v5 =	vmul.f32 v5, v9;
	v9 =	vmax.f32 v14, $9.999999970e-07  }
0x77: {  	v9 =	vmul.f32 v9, v11;
	v7 =	vmax.f32 v7, $9.999999970e-07  }
0x78: {  	v11 =	vld [tilespmem:s19+$0x30];
	v7 =	vmul.f32 v7, v2;
	v2 =	vmax.f32 v12, $9.999999970e-07;
	v10 =	vmax.f32 v10, $9.999999970e-07  }
0x79: {  	v2 =	vmul.f32 v2, v8;
	v8 =	vmax.f32 v15, $9.999999970e-07  }
0x7a: {  	v14 =	vld [tilespmem:s22+$0xFFFFFFE0];
	v12 =	vpop (erf);
	(erf) = vrcp.f32 v10  }
0x7b: {  	v16 =	vld [tilespmem:s18+$0xFFFFFFE0];
	v6 =	vmax.f32 v6, $9.999999970e-07;
	v10 =	vpop (erf);
	(erf) = vrcp.f32 v8;
	v5 =	vmul.f32 v5, v12  }
0x7c: {  	v2 =	vmul.f32 v2, v10;
	v8 =	vpop (erf);
	(erf) = vrcp.f32 v6  }
0x7d: {  	v13 =	vld [tilespmem:s19+$0xFFFFFFE0];
	v11 =	vmax.f32 v11, $9.999999970e-07;
	v15 =	vmul.f32 v10, v10;
	v4 =	vmul.f32 v4, v8  }
0x7e: {  	v10 =	vmul.f32 v5, v5;
	(erf) = vrcp.f32 v11  }
0x7f: {  	v8 =	vmul.f32 v8, v8;
	v11 =	vmax.f32 v14, $9.999999970e-07;
	v6 =	vmul.f32 v2, v2  }
0x80: {  	v21 =	vmul.f32 v11, v16;
	v17 =	vmul.f32 v4, v4  }
0x81: {  	v5 =	vmul.f32 v10, v5;
	v2 =	vmul.f32 v6, v2  }
0x82: {  	v10 =	vmul.f32 v12, v12;
	v6 =	vmax.f32 v13, $9.999999970e-07;
	v4 =	vmul.f32 v17, v4  }
0x83: {  	v5 =	vsub.f32 $0.0e+00, v5;
	(erf) = vrcp.f32 v6;
	v2 =	vsub.f32 $0.0e+00, v2  }
0x84: {  	v14 =	vld [tilespmem:s22+$0x30];
	v33 =	vmul.f32 v15, v15;
	v24 =	vmul.f32 v10, v10  }
0x85: {  	s20 =	simm.s32 $0x1440;
	v11 =	vld [tilespmem:s18+$0x30];
	v13 =	vpop (erf);
	v4 =	vsub.f32 $0.0e+00, v4;
	v5 =	vmul.f32 $1.442695020e+00, v5;
	v12 =	vmul.f32 $1.442695020e+00, v2  }
0x86: {  	s19 =	simm.s32 $0x5040;
	v6 =	vld [tilespmem:s20+$0xFFFFFFD0];
	v17 =	vmul.f32 v13, v13;
	v32 =	vmul.f32 v7, v13  }
0x87: {  	v20 =	vpop (erf);
	v2 =	vld [tilespmem:s19+$0x0];
	v19 =	vmul.f32 $1.442695020e+00, v4;
	(erf) = vpow2.f32 v5  }
0x88: {  	v10 =	vld [tilespmem:s20+$0x0];
	v18 =	vmul.f32 v20, v20;
	v5 =	vmul.f32 v9, v20  }
0x89: {  	v7 =	vld [tilespmem:s19+$0x10];
	v17 =	vmul.f32 v17, v17;
	(erf) = vpow2.f32 v12;
	v4 =	vpop (erf)  }
0x8a: {  	v23 =	vmul.f32 v3, v4;
	v16 =	vmul.f32 v4, v4;
	v4 =	vld [tilespmem:s20+$0x20]  }
0x8b: {  	v13 =	vld [tilespmem:s20+$0xFFFFFFC0];
	v31 =	vmul.f32 $5.000000000e-01, v6;
	v28 =	vmul.f32 v5, v5;
	v3 =	vmax.f32 v14, $9.999999970e-07;
	v22 =	vpop (erf)  }
0x8c: {  	v9 =	vld [tilespmem:s19+$0x20];
	v25 =	vmul.f32 v3, v11;
	v3 =	vperm.xlane v2, v1;
	v14 =	vpop (erf)  }
0x8d: {  	v6 =	vld [tilespmem:s19+$0xFFFFFFE0];
	v20 =	vmul.f32 v23, v23;
	v26 =	vmul.f32 v21, v14  }
0x8e: {  	v12 =	vld [tilespmem:s20+$0xFFFFFFE0];
	v14 =	vmul.f32 v14, v14;
	v21 =	vmul.f32 v28, v5  }
0x8f: {  	v11 =	vld [tilespmem:s20+$0x10];
	v20 =	vmul.f32 v20, v23;
	v27 =	vmul.f32 $5.000000000e-01, v4  }
0x90: {  	v5 =	vld [tilespmem:s19+$0xFFFFFFC0];
	v23 =	vmul.f32 v32, v32;
	v30 =	vmul.f32 v26, v26  }
0x91: {  	s28 =	simm.s32 $0xC0;
	s29 =	simm.s32 $0x3CC0;
	v29 =	vpop (erf);
	v15 =	vsub.f32 $0.0e+00, v20;
	v28 =	vmul.f32 v24, v27;
	v24 =	vmul.f32 v25, v22;
	v27 =	vld [tilespmem:s20+$0xFFFFFFF0]  }
0x92: {  	s21 =	simm.s32 $0x1440;
	s14 =	simm.s32 $0x50C0;
	s22 =	simm.s32 $0x0;
	v4 =	vld [tilespmem:s19+$0xFFFFFFD0];
	v20 =	vsub.f32 $0.0e+00, v21;
	v21 =	vpop (erf);
	v25 =	vmul.f32 v23, v32;
	v23 =	vmul.f32 v33, v31  }
.LBB2_5:
0x93: {  	v31 =	vld [tilespmem:s28+$0xFFFFFFD0];
	s22 =	sadd.s32 $0x8, s22;
	v28 =	vmul.f32 v29, v28;
	v22 =	vmul.f32 v22, v22;
	s20 =	sadd.s32 $0x80, s20;
	s18 =	sadd.s32 $0x80, s18  }
0x94: {  	v26 =	vmul.f32 v30, v26;
	v12 =	vmul.f32 $5.000000000e-01, v12;
	v29 =	vld [tilespmem:s18+$0xFFFFFFF0];
	p0 =	slt.u32 s22, $0x130  }
0x95: {  	v32 =	vmul.f32 v14, v14;
	v14 =	vmul.f32 v24, v24;
	v30 =	vld [tilespmem:s18+$0x0]  }
0x96: {  	v13 =	vmul.f32 $5.000000000e-01, v13;
	v25 =	vsub.f32 $0.0e+00, v25;
	v27 =	vmul.f32 $5.000000000e-01, v27;
	v33 =	vld [tilespmem:s29+$0x0]  }
0x97: {  	v26 =	vsub.f32 $0.0e+00, v26;
	v24 =	vmul.f32 v14, v24;
	v35 =	vmul.f32 v22, v22;
	v34 =	vld [tilespmem:s29+$0xFFFFFFF0]  }
0x98: {  	v17 =	vmul.f32 v17, v13;
	v22 =	vperm.xlane v9, v1;
	v36 =	vld [tilespmem:s18+$0xFFFFFFD0]  }
0x99: {  	v13 =	vperm.xlane v7, v1;
	v25 =	vmul.f32 $1.442695020e+00, v25;
	v37 =	vld [tilespmem:s18+$0x20]  }
0x9a: {  	v11 =	vmul.f32 $5.000000000e-01, v11;
	v38 =	vld [tilespmem:s18+$0x10];
	(erf) = vpow2.f32 v19  }
0x9b: {  	vm1 =	vne.s32 v2, v3;
	v21 =	vmul.f32 v21, v23;
	v14 =	vperm.xlane v4, v1;
	v19 =	vld [tilespmem:s29+$0xFFFFFFD0]  }
0x9c: {  	v39 =	vmul.f32 v16, v16;
	v40 =	vmul.f32 v18, v18;
	v23 =	vmax.f32 v34, $9.999999970e-07;
	v34 =	vld [tilespmem:s28+$0x20]  }
0x9d: {  	vm3 =	vne.s32 v4, v14;
	v26 =	vmul.f32 $1.442695020e+00, v26;
	v16 =	vmul.f32 v23, v29;
	v23 =	vld [tilespmem:s28+$0x0]  }
0x9e: {  	v12 =	vmul.f32 v32, v12;
	v27 =	vmul.f32 v39, v27;
	v24 =	vsub.f32 $0.0e+00, v24;
	v29 =	vld [tilespmem:s28+$0xFFFFFFE0]  }
0x9f: {  	v18 =	vperm.xlane v6, v1;
	vm4 =	vmor vm3, vm0;
	v32 =	vld [tilespmem:s29+$0x20];
	(erf) = vpow2.f32 v26;
	(xrf2) =	vadd.scan.msk.f32 $0xffff, v28  }
0xa0: {  	v20 =	vmul.f32 $1.442695020e+00, v20;
	vm2 =	vne.s32 v7, v13;
	v24 =	vmul.f32 $1.442695020e+00, v24;
	v26 =	vld [tilespmem:s29+$0xFFFFFFC0]  }
0xa1: {  	vm7 =	vne.s32 v6, v18;
	v39 =	vmul.f32 $1.442695020e+00, v15;
	v42 =	vmax.f32 v34, $9.999999970e-07;
	v34 =	vld [tilespmem:s29+$0x30]  }
0xa2: {  	vm9 =	vne.s32 v9, v22;
	v31 =	vmax.f32 v31, $9.999999970e-07;
	v41 =	vld [tilespmem:s18+$0xFFFFFFC0];
	(erf) = vpow2.f32 v24  }
0xa3: {  	v15 =	vperm.xlane v5, v1;
	vm8 =	vmor vm7, vm0;
	v24 =	vld [tilespmem:s28+$0x10];
	(erf) = vrcp.f32 v42;
	v28 =	vpop (erf)  }
0xa4: {  	vm6 =	vmor vm9, vm0;
	v33 =	vmax.f32 v33, $9.999999970e-07;
	v42 =	vld [tilespmem:s29+$0x10];
	(erf) = vpow2.f32 v39  }
0xa5: {  	v30 =	vmul.f32 v33, v30;
	v32 =	vmax.f32 v32, $9.999999970e-07;
	v33 =	vld [tilespmem:s21+$0x30];
	(erf) = vpow2.f32 v20;
	s21 =	smov.u32 s20  }
0xa6: {  	vm5 =	vmor vm2, vm0;
	v32 =	vmul.f32 v32, v37;
	v39 =	vld [tilespmem:s28+$0xFFFFFFC0];
	(erf) = vrcp.f32 v31  }
0xa7: {  	v23 =	vmax.f32 v23, $9.999999970e-07;
	v43 =	vmax.f32 v26, $9.999999970e-07;
	v26 =	vld [tilespmem:s28+$0xFFFFFFF0];
	(erf) = vpow2.f32 v25;
	(xrf2) =	vadd.scan.msk.f32 $0xffff, v21  }
0xa8: {  	v10 =	vmul.f32 $5.000000000e-01, v10;
	v21 =	vmul.f32 v43, v41;
	v31 =	vld [tilespmem:s14+$0xFFFFFFE0];
	v37 =	vmax.f32 v24, $9.999999970e-07;
	v20 =	vpop (erf)  }
0xa9: {  	v24 =	vmax.f32 v42, $9.999999970e-07;
	(erf) = vrcp.f32 v23;
	v25 =	vmul.f32 v20, v12;
	v20 =	vld [tilespmem:s19+$0x30];
	v41, _, _ =	vpop (xrf2)  }
0xaa: {  	v12 =	vmax.f32 v19, $9.999999970e-07;
	v23 =	vmul.f32 v24, v38;
	[tilespmem:v9+s10+$0x0] =	vst.idx.add.f32.msk vm6, v41;
	v24 =	vmul.f32 $5.000000000e-01, v33  }
0xab: {  	v33 =	vmul.f32 v12, v36;
	vm6 =	vmor vm1, vm0;
	v19 =	vmax.f32 v39, $9.999999970e-07;
	v12 =	vld [tilespmem:s20+$0xFFFFFFE0];
	(xrf2) =	vadd.scan.msk.f32 $0xffff, v25;
	v36 =	vpop (erf)  }
0xac: {  	v8 =	vmul.f32 v8, v8;
	v25 =	vmul.f32 v40, v11;
	v26 =	vmax.f32 v26, $9.999999970e-07;
	v38 =	vpop (erf);
	v39 =	vld [tilespmem:s19+$0xFFFFFFF0];
	s19 =	smov.u32 s14  }
0xad: {  	v34 =	vmax.f32 v34, $9.999999970e-07;
	v35 =	vmul.f32 v35, v24;
	v32 =	vmul.f32 v32, v38;
	v40 =	vld [tilespmem:s28+$0x30];
	v9 =	vpop (erf)  }
0xae: {  	v42 =	vsub.f32 $0.0e+00, v41;
	v11 =	vld [tilespmem:s20+$0x10];
	(erf) = vrcp.f32 v19;
	v9 =	vmul.f32 v9, v27;
	v27 =	vpop (erf)  }
0xaf: {  	v8 =	vmul.f32 v8, v10;
	v24 =	vld [tilespmem:s14+$0x0];
	v41 =	vpop (erf);
	v27 =	vmul.f32 v27, v25  }
0xb0: {  	v33 =	vmul.f32 v33, v41;
	v25 =	vmul.f32 v41, v41;
	[tilespmem:v22+s10+$0x0] =	vst.idx.add.f32.msk vm9, v42;
	v19 =	vpop (erf);
	(xrf2) =	vadd.scan.msk.f32 $0xffff, v9  }
0xb1: {  	v28 =	vmul.f32 v28, v8;
	v10 =	vld [tilespmem:s20+$0x0];
	v22 =	vperm.xlane v39, v1;
	v41, _, _ =	vpop (xrf2)  }
0xb2: {  	v17 =	vmul.f32 v19, v17;
	v9 =	vld [tilespmem:s14+$0x20];
	v8 =	vmax.f32 v40, $9.999999970e-07;
	v40 =	vpop (erf);
	(erf) = vrcp.f32 v37  }
0xb3: {  	v19 =	vmax.f32 v29, $9.999999970e-07;
	v29 =	vmul.f32 v32, v32;
	v37 =	vld [tilespmem:s14+$0xFFFFFFD0];
	(erf) = vrcp.f32 v26;
	(xrf2) =	vadd.scan.msk.f32 $0xffff, v27  }
0xb4: {  	v27 =	vmul.f32 v30, v40;
	vm9 =	vne.s32 v39, v22;
	v30 =	vmul.f32 v36, v35;
	v26 =	vld [tilespmem:s18+$0xFFFFFFE0]  }
0xb5: {  	v43 =	vmul.f32 v33, v33;
	vm10 =	vmor vm9, vm0;
	v36 =	vld [tilespmem:s29+$0xFFFFFFE0];
	(erf) = vrcp.f32 v8;
	v8, _, _ =	vpop (xrf2)  }
0xb6: {  	v29 =	vmul.f32 v29, v32;
	v42 =	vmul.f32 v27, v27;
	[tilespmem:v6+s10+$0x0] =	vst.idx.add.f32.msk vm8, v8;
	v44 =	vsub.f32 $0.0e+00, v8  }
0xb7: {  	v32 =	vmul.f32 v43, v33;
	v8 =	vmul.f32 v40, v40;
	vm8 =	vne.s32 v5, v15;
	v33 =	vld [tilespmem:s20+$0x20];
	v35 =	vpop (erf);
	(xrf2) =	vadd.scan.msk.f32 $0xffff, v17  }
0xb8: {  	v40 =	vperm.xlane v20, v1;
	v17 =	vmul.f32 v42, v27;
	v27 =	vsub.f32 $0.0e+00, v29;
	[tilespmem:v18+s10+$0x0] =	vst.idx.add.f32.msk vm7, v44  }
0xb9: {  	v6 =	vmovc v31;
	v29 =	vsub.f32 $0.0e+00, v32;
	v32 =	vmul.f32 v38, v38;
	v18 =	vld [tilespmem:s20+$0xFFFFFFD0];
	(erf) = vrcp.f32 v19  }
0xba: {  	vm7 =	vmor vm8, vm0;
	v43 =	vsub.f32 $0.0e+00, v17;
	v31 =	vld [tilespmem:s14+$0xFFFFFFC0];
	v19 =	vmax.f32 v36, $9.999999970e-07;
	v36, _, _ =	vpop (xrf2);
	(xrf2) =	vadd.scan.msk.f32 $0xffff, v28  }
0xbb: {  	v27 =	vmul.f32 $1.442695020e+00, v27;
	v28 =	vmul.f32 $1.442695020e+00, v29;
	v29 =	vld [tilespmem:s18+$0x30];
	v38 =	vpop (erf);
	v44 =	vsub.f32 $0.0e+00, v36  }
0xbc: {  	v26 =	vmul.f32 v19, v26;
	v19 =	vmul.f32 $1.442695020e+00, v43;
	v43 =	vsub.f32 $0.0e+00, v41;
	v17 =	vpop (erf);
	[tilespmem:v39+s10+$0x0] =	vst.idx.add.f32.msk vm10, v36  }
0xbd: {  	v36 =	vmul.f32 v35, v35;
	v39 =	vmul.f32 v16, v17;
	[tilespmem:v22+s10+$0x0] =	vst.idx.add.f32.msk vm9, v44;
	v42, _, _ =	vpop (xrf2);
	(xrf2) =	vadd.scan.msk.f32 $0xffff, v30  }
0xbe: {  	v16 =	vmul.f32 v17, v17;
	v30 =	vmul.f32 v32, v32;
	v22 =	vpop (erf);
	[tilespmem:v4+s10+$0x0] =	vst.idx.add.f32.msk vm4, v41;
	v4 =	vmov v37  }
0xbf: {  	v17 =	vmul.f32 v36, v36;
	vm4 =	vne.s32 v20, v40;
	v32 =	vld [tilespmem:s14+$0x10];
	(erf) = vpow2.f32 v27  }
0xc0: {  	v36 =	vmul.f32 $5.000000000e-01, v18;
	(erf) = vpow2.f32 v28;
	[tilespmem:v14+s10+$0x0] =	vst.idx.add.f32.msk vm3, v43;
	vm3 =	vmor vm4, vm0  }
0xc1: {  	v18 =	vmul.f32 v38, v38;
	v41 =	vsub.f32 $0.0e+00, v42;
	v34 =	vmul.f32 v34, v29;
	[tilespmem:v7+s10+$0x0] =	vst.idx.add.f32.msk vm5, v42;
	v14, _, _ =	vpop (xrf2)  }
0xc2: {  	v23 =	vmul.f32 v23, v38;
	v37 =	vperm.xlane v24, v1;
	v27 =	vpop (erf);
	[tilespmem:v5+s10+$0x0] =	vst.idx.add.f32.msk vm7, v14;
	v14 =	vsub.f32 $0.0e+00, v14  }
0xc3: {  	v29 =	vmul.f32 v39, v39;
	v28 =	vmul.f32 $5.000000000e-01, v33;
	v5 =	vmov v31;
	[tilespmem:v13+s10+$0x0] =	vst.idx.add.f32.msk vm2, v41  }
0xc4: {  	v31 =	vmul.f32 v21, v35;
	v21 =	vmul.f32 v23, v23;
	[tilespmem:v15+s10+$0x0] =	vst.idx.add.f32.msk vm8, v14;
	v15, _, _ =	vpop (xrf2);
	v7 =	vmov v32  }
0xc5: {  	v26 =	vmul.f32 v26, v27;
	v14 =	vmul.f32 v27, v27;
	v13 =	vld [tilespmem:s20+$0xFFFFFFC0]  }
.Ltmp1:
0xc6: {  	v28 =	vmul.f32 v30, v28;
	v38 =	vmul.f32 v21, v23;
	v23 =	vsub.f32 $0.0e+00, v15;
	[tilespmem:v2+s10+$0x0] =	vst.idx.add.f32.msk vm6, v15;
	(pc) =	sbr.rel @p0 .LBB2_5-.Ltmp1, $4  }
0xc7: {  	v32 =	vmul.f32 v31, v31;
	v15 =	vmul.f32 v29, v39;
	v2 =	vmov v24;
	v27 =	vld [tilespmem:s20+$0xFFFFFFF0];
	v33, _, _ =	vpop (xrf2)  }
0xc8: {  	v35 =	vmul.f32 v25, v25;
	v30 =	vmul.f32 v26, v26;
	v29 =	vpop (erf);
	[tilespmem:v20+s10+$0x0] =	vst.idx.add.f32.msk vm3, v33;
	v33 =	vsub.f32 $0.0e+00, v33  }
0xc9: {  	v24 =	vmul.f32 v34, v22;
	v15 =	vsub.f32 $0.0e+00, v15;
	v20 =	vsub.f32 $0.0e+00, v38;
	v21 =	vpop (erf);
	[tilespmem:v3+s10+$0x0] =	vst.idx.add.f32.msk vm1, v23  }
0xca: {  	s28 =	sadd.s32 $0x80, s28;
	s29 =	sadd.s32 $0x80, s29;
	s14 =	sadd.s32 $0x80, s14;
	v25 =	vmul.f32 v32, v31;
	v23 =	vmul.f32 v35, v36;
	v3 =	vmov v37;
	[tilespmem:v40+s10+$0x0] =	vst.idx.add.f32.msk vm4, v33  }
0xcb: {  	v31 =	vmul.f32 v24, v24;
	v26 =	vmul.f32 v30, v26;
	_ =	sdelay $0x1  }
0xcc: {  	v24 =	vmul.f32 v31, v24;
	v26 =	vsub.f32 $0.0e+00, v26  }
0xcd: {  	(erf) = vpow2.f32 v19  }
0xce: {  	v24 =	vsub.f32 $0.0e+00, v24;
	v26 =	vmul.f32 $1.442695020e+00, v26;
	_ =	sdelay $0x1  }
0xcf: {  	v19 =	vmul.f32 $1.442695020e+00, v24;
	(erf) = vpow2.f32 v26  }
0xd0: {  	v15 =	vmul.f32 $1.442695020e+00, v15  }
0xd1: {  	v14 =	vmul.f32 v14, v14;
	(erf) = vpow2.f32 v19;
	v19 =	vsub.f32 $0.0e+00, v25  }
0xd2: {  	v20 =	vmul.f32 $1.442695020e+00, v20;
	(erf) = vpow2.f32 v15  }
0xd3: {  	v12 =	vmul.f32 $5.000000000e-01, v12;
	v19 =	vmul.f32 $1.442695020e+00, v19  }
0xd4: {  	v16 =	vmul.f32 v16, v16;
	(erf) = vpow2.f32 v20  }
0xd5: {  	v12 =	vmul.f32 v14, v12;
	v14 =	vpop (erf);
	(erf) = vpow2.f32 v19  }
0xd6: {  	v13 =	vmul.f32 $5.000000000e-01, v13;
	v15 =	vmul.f32 v29, v28  }
0xd7: {  	v11 =	vmul.f32 $5.000000000e-01, v11;
	v19 =	vmul.f32 v21, v23  }
0xd8: {  	v18 =	vmul.f32 v18, v18;
	v24 =	vmul.f32 $5.000000000e-01, v27;
	(xrf2) =	vadd.scan.msk.f32 $0xffff, v15;
	v20 =	vpop (erf)  }
0xd9: {  	v10 =	vmul.f32 $5.000000000e-01, v10;
	v12 =	vmul.f32 v20, v12  }
0xda: {  	v16 =	vmul.f32 v16, v24;
	v21 =	vperm.xlane v9, v1;
	(xrf2) =	vadd.scan.msk.f32 $0xffff, v19;
	v15 =	vpop (erf)  }
0xdb: {  	v8 =	vmul.f32 v8, v8;
	v13 =	vmul.f32 v17, v13;
	v19 =	vpop (erf);
	(xrf2) =	vadd.scan.msk.f32 $0xffff, v12;
	v12 =	vld [tilespmem:s19+$0xFFFFFFF0]  }
0xdc: {  	v11 =	vmul.f32 v18, v11;
	vm2 =	vne.s32 v9, v21;
	v16 =	vmul.f32 v19, v16;
	v19 =	vld [tilespmem:s21+$0x30]  }
0xdd: {  	v8 =	vmul.f32 v8, v10;
	v10 =	vperm.xlane v7, v1;
	vm3 =	vmor vm2, vm0;
	v17 =	vpop (erf)  }
0xde: {  	v11 =	vmul.f32 v17, v11;
	(xrf2) =	vadd.scan.msk.f32 $0xffff, v16;
	v16 =	vperm.xlane v6, v1;
	v17 =	vpop (erf)  }
0xdf: {  	v20 =	vmul.f32 v22, v22;
	v13 =	vmul.f32 v17, v13  }
0xe0: {  	v17 =	vperm.xlane v4, v1;
	(xrf2) =	vadd.scan.msk.f32 $0xffff, v11;
	vm1 =	vne.s32 v6, v16;
	v18 =	vperm.xlane v12, v1  }
0xe1: {  	v20 =	vmul.f32 v20, v20;
	vm4 =	vmor vm1, vm0;
	v19 =	vmul.f32 $5.000000000e-01, v19  }
0xe2: {  	v8 =	vmul.f32 v14, v8;
	v11, _, _ =	vpop (xrf2);
	vm7 =	vne.s32 v4, v17;
	vm5 =	vne.s32 v12, v18  }
0xe3: {  	v22 =	vsub.f32 $0.0e+00, v11;
	vm8 =	vmor vm7, vm0;
	[tilespmem:v9+s10+$0x0] =	vst.idx.add.f32.msk vm3, v11;
	v19 =	vmul.f32 v20, v19  }
0xe4: {  	(xrf2) =	vadd.scan.msk.f32 $0xffff, v13;
	vm3 =	vne.s32 v7, v10;
	vm6 =	vmor vm5, vm0;
	v13, _, _ =	vpop (xrf2);
	v20 =	vld [tilespmem:s19+$0x30]  }
0xe5: {  	(xrf2) =	vadd.scan.msk.f32 $0xffff, v8;
	[tilespmem:v21+s10+$0x0] =	vst.idx.add.f32.msk vm2, v22;
	vm2 =	vmor vm3, vm0;
	v9 =	vmul.f32 v15, v19;
	v11, _, _ =	vpop (xrf2)  }
0xe6: {  	v14 =	vperm.xlane v5, v1;
	v15 =	vsub.f32 $0.0e+00, v11  }
0xe7: {  	[tilespmem:v6+s10+$0x0] =	vst.idx.add.f32.msk vm4, v11;
	(xrf2) =	vadd.scan.msk.f32 $0xffff, v9  }
0xe8: {  	vm4 =	vne.s32 v5, v14;
	[tilespmem:v16+s10+$0x0] =	vst.idx.add.f32.msk vm1, v15  }
0xe9: {  	vm12 =	vne.s32 v2, v3;
	v6, _, _ =	vpop (xrf2);
	vm1 =	vmor vm4, vm0;
	v9 =	vperm.xlane v20, v1;
	[tilespmem:v4+s10+$0x0] =	vst.idx.add.f32.msk vm8, v13  }
0xea: {  	vm13 =	vmor vm12, vm0;
	v8 =	vsub.f32 $0.0e+00, v6;
	[tilespmem:v12+s10+$0x0] =	vst.idx.add.f32.msk vm6, v6;
	v6 =	vsub.f32 $0.0e+00, v13;
	v4, _, _ =	vpop (xrf2)  }
0xeb: {  	vm14 =	vne.s32 v20, v9;
	[tilespmem:v7+s10+$0x0] =	vst.idx.add.f32.msk vm2, v4;
	v4 =	vsub.f32 $0.0e+00, v4  }
0xec: {  	[tilespmem:v18+s10+$0x0] =	vst.idx.add.f32.msk vm5, v8;
	vm15 =	vmor vm14, vm0  }
0xed: {  	[tilespmem:v17+s10+$0x0] =	vst.idx.add.f32.msk vm7, v6  }
0xee: {  	[tilespmem:v10+s10+$0x0] =	vst.idx.add.f32.msk vm3, v4;
	v6, _, _ =	vpop (xrf2)  }
0xef: {  	[tilespmem:v5+s10+$0x0] =	vst.idx.add.f32.msk vm1, v6;
	v5 =	vsub.f32 $0.0e+00, v6;
	v4, _, _ =	vpop (xrf2)  }
0xf0: {  	[tilespmem:v2+s10+$0x0] =	vst.idx.add.f32.msk vm13, v4  }
0xf1: {  	v2 =	vsub.f32 $0.0e+00, v4;
	[tilespmem:v14+s10+$0x0] =	vst.idx.add.f32.msk vm4, v5;
	v4, _, _ =	vpop (xrf2)  }
0xf2: {  	[tilespmem:v20+s10+$0x0] =	vst.idx.add.f32.msk vm15, v4;
	v4 =	vsub.f32 $0.0e+00, v4  }
0xf3: {  	[tilespmem:v3+s10+$0x0] =	vst.idx.add.f32.msk vm12, v2  }
0xf4: {  	[tilespmem:v9+s10+$0x0] =	vst.idx.add.f32.msk vm14, v4  }
0xf5: {  	_ =	swait.ge [sflag:s11], $0x1388  }
0xf6: {  	[sflag:s11] =	ssyncset.done $0x0  }
0xf7: {  	[sflag:s11] =	ssyncadd.s32 $0xFFFFEC78  }
0xf8: {  	_ =	swait.ge [sflag:s11], $0x1388  }
0xf9: {  	[sflag:s11] =	ssyncset.done $0x0  }
0xfa: {  	[sflag:s11] =	ssyncadd.s32 $0xFFFFEC78  }
0xfb: {  	_ =	swait.ge [sflag:s11], $0x1388  }
0xfc: {  	[sflag:s11] =	ssyncset.done $0x0  }
0xfd: {  	[sflag:s11] =	ssyncadd.s32 $0xFFFFEC78  }
0xfe: {  	_ =	swait.ge [sflag:s11], $0x1388  }
0xff: {  	[sflag:s11] =	ssyncset.done $0x0  }
0x100: {  	p0 =	seq.s32 s16, $0x9;
	[sflag:s11] =	ssyncadd.s32 $0xFFFFEC78  }
0x101: {  	s14 =	sadd.s32 @!p0 s17, s24;
	_ =	swait.ge [sflag:s11], $0x1388  }
0x102: {  	s14 =	sshrl.u32 @!p0 s14, $0x3;
	[sflag:s11] =	ssyncset.done $0x0  }
0x103: {  	s18 =	sadd.s32 @!p0 s0, s14;
	s19 =	simm.s32 @!p0 $0x0;
	[sflag:s11] =	ssyncadd.s32 $0xFFFFEC78  }
0x104: {  	[tilespmem:s19], [sflag:$0x1] =	stream.linear.gather @!p0 [hbm4b:s18+s19], $0x1388, $0x38;
	[tilespmem:$0x1A000] =	vst v63  }
0x105: {  	s20 =	simm.s32 @!p0 $0x1400;
	s18 =	sadd.s32 @!p0 s1, s14  }
0x106: {  	[tilespmem:s20], [sflag:$0x1] =	stream.linear.gather @!p0 [hbm4b:s18+s19], $0x1388, $0x38;
	[tilespmem:$0x1A000] =	vst v63  }
0x107: {  	s18 =	sadd.s32 @!p0 s2, s14;
	s20 =	simm.s32 @!p0 $0x2800  }
0x108: {  	[tilespmem:s20], [sflag:$0x1] =	stream.linear.gather @!p0 [hbm4b:s18+s19], $0x1388, $0x38;
	[tilespmem:$0x1A000] =	vst v63  }
0x109: {  	s18 =	sadd.s32 @!p0 s3, s14;
	s20 =	simm.s32 @!p0 $0x3C00  }
0x10a: {  	[tilespmem:s20], [sflag:$0x1] =	stream.linear.gather @!p0 [hbm4b:s18+s19], $0x1388, $0x38;
	[tilespmem:$0x1A000] =	vst v63  }
0x10b: {  	s21 =	simm.s32 $0x6440;
	s14 =	sadd.s32 @!p0 s6, s14;
	s18 =	simm.s32 @!p0 $0x5000  }
0x10c: {  	[tilespmem:s18], [sflag:$0x1] =	stream.linear.gather @!p0 [hbm4b:s14+s19], $0x1388, $0x38;
	[tilespmem:$0x1A000] =	vst v63  }
0x10d: {  	s18 =	simm.s32 $0x8C40;
	v2 =	vld [tilespmem:s21+$0xFFFFFFD0]  }
0x10e: {  	v3 =	vld [tilespmem:s18+$0xFFFFFFF0]  }
0x10f: {  	s22 =	simm.s32 $0xA040;
	v4 =	vld [tilespmem:s18+$0x0]  }
0x110: {  	v5 =	vld [tilespmem:s22+$0x0]  }
0x111: {  	v6 =	vld [tilespmem:s22+$0xFFFFFFF0]  }
0x112: {  	v7 =	vld [tilespmem:s21+$0x20]  }
0x113: {  	v8 =	vld [tilespmem:s18+$0xFFFFFFD0]  }
0x114: {  	v9 =	vld [tilespmem:s18+$0x20]  }
0x115: {  	v10 =	vld [tilespmem:s21+$0x0]  }
0x116: {  	v11 =	vld [tilespmem:s18+$0x10]  }
0x117: {  	v12 =	vld [tilespmem:s22+$0xFFFFFFD0]  }
0x118: {  	v13 =	vld [tilespmem:s22+$0x20]  }
0x119: {  	v14 =	vld [tilespmem:s22+$0x10];
	v7 =	vmax.f32 v7, $9.999999970e-07  }
0x11a: {  	v2 =	vmax.f32 v2, $9.999999970e-07;
	(erf) = vrcp.f32 v7;
	v7 =	vld [tilespmem:s22+$0xFFFFFFC0]  }
0x11b: {  	v10 =	vmax.f32 v10, $9.999999970e-07;
	(erf) = vrcp.f32 v2;
	v2 =	vld [tilespmem:s18+$0xFFFFFFC0]  }
0x11c: {  	(erf) = vrcp.f32 v10;
	v10 =	vld [tilespmem:s21+$0xFFFFFFC0]  }
0x11d: {  	v15 =	vld [tilespmem:s21+$0x10];
	v6 =	vmax.f32 v6, $9.999999970e-07;
	v5 =	vmax.f32 v5, $9.999999970e-07  }
0x11e: {  	v3 =	vmul.f32 v6, v3;
	v6 =	vld [tilespmem:s21+$0xFFFFFFF0];
	v4 =	vmul.f32 v5, v4;
	v5 =	vmax.f32 v13, $9.999999970e-07  }
0x11f: {  	v5 =	vmul.f32 v5, v9;
	v9 =	vmax.f32 v14, $9.999999970e-07  }
0x120: {  	v9 =	vmul.f32 v9, v11;
	v11 =	vld [tilespmem:s21+$0x30];
	v7 =	vmax.f32 v7, $9.999999970e-07  }
0x121: {  	v7 =	vmul.f32 v7, v2;
	v2 =	vmax.f32 v12, $9.999999970e-07;
	v10 =	vmax.f32 v10, $9.999999970e-07  }
0x122: {  	v14 =	vld [tilespmem:s22+$0xFFFFFFE0];
	v2 =	vmul.f32 v2, v8;
	v8 =	vmax.f32 v15, $9.999999970e-07;
	(erf) = vrcp.f32 v10  }
0x123: {  	v16 =	vld [tilespmem:s18+$0xFFFFFFE0];
	v6 =	vmax.f32 v6, $9.999999970e-07;
	v12 =	vpop (erf);
	(erf) = vrcp.f32 v8  }
0x124: {  	v10 =	vpop (erf);
	v5 =	vmul.f32 v5, v12;
	(erf) = vrcp.f32 v6  }
0x125: {  	v13 =	vld [tilespmem:s21+$0xFFFFFFE0];
	v11 =	vmax.f32 v11, $9.999999970e-07;
	v2 =	vmul.f32 v2, v10;
	v8 =	vpop (erf);
	v15 =	vmul.f32 v10, v10  }
0x126: {  	(erf) = vrcp.f32 v11;
	v4 =	vmul.f32 v4, v8  }
0x127: {  	v11 =	vmax.f32 v14, $9.999999970e-07;
	v10 =	vmul.f32 v5, v5;
	v8 =	vmul.f32 v8, v8  }
0x128: {  	v21 =	vmul.f32 v11, v16;
	v6 =	vmul.f32 v2, v2  }
0x129: {  	v17 =	vmul.f32 v4, v4;
	v5 =	vmul.f32 v10, v5  }
0x12a: {  	v10 =	vmul.f32 v12, v12;
	v2 =	vmul.f32 v6, v2;
	v6 =	vmax.f32 v13, $9.999999970e-07  }
0x12b: {  	v4 =	vmul.f32 v17, v4;
	v5 =	vsub.f32 $0.0e+00, v5;
	(erf) = vrcp.f32 v6  }
0x12c: {  	v14 =	vld [tilespmem:s22+$0x30];
	v33 =	vmul.f32 v15, v15;
	v24 =	vmul.f32 v10, v10;
	v2 =	vsub.f32 $0.0e+00, v2;
	v13 =	vpop (erf)  }
0x12d: {  	s20 =	simm.s32 $0x7840;
	v11 =	vld [tilespmem:s18+$0x30];
	v4 =	vsub.f32 $0.0e+00, v4;
	v5 =	vmul.f32 $1.442695020e+00, v5;
	v17 =	vmul.f32 v13, v13  }
0x12e: {  	s19 =	simm.s32 $0xB440;
	v6 =	vld [tilespmem:s20+$0xFFFFFFD0];
	v20 =	vpop (erf);
	v32 =	vmul.f32 v7, v13;
	v12 =	vmul.f32 $1.442695020e+00, v2  }
0x12f: {  	v2 =	vld [tilespmem:s19+$0x0];
	v18 =	vmul.f32 v20, v20;
	v19 =	vmul.f32 $1.442695020e+00, v4  }
0x130: {  	v10 =	vld [tilespmem:s20+$0x0];
	v17 =	vmul.f32 v17, v17;
	(erf) = vpow2.f32 v5  }
0x131: {  	v7 =	vld [tilespmem:s19+$0x10];
	v5 =	vmul.f32 v9, v20;
	(erf) = vpow2.f32 v12;
	v4 =	vpop (erf)  }
0x132: {  	v23 =	vmul.f32 v3, v4;
	v16 =	vmul.f32 v4, v4;
	v4 =	vld [tilespmem:s20+$0x20]  }
0x133: {  	v13 =	vld [tilespmem:s20+$0xFFFFFFC0];
	v31 =	vmul.f32 $5.000000000e-01, v6;
	v28 =	vmul.f32 v5, v5;
	v3 =	vmax.f32 v14, $9.999999970e-07;
	v22 =	vpop (erf)  }
0x134: {  	v9 =	vld [tilespmem:s19+$0x20];
	v25 =	vmul.f32 v3, v11;
	v3 =	vperm.xlane v2, v1;
	v14 =	vpop (erf)  }
0x135: {  	v6 =	vld [tilespmem:s19+$0xFFFFFFE0];
	v20 =	vmul.f32 v23, v23;
	v26 =	vmul.f32 v21, v14  }
0x136: {  	v12 =	vld [tilespmem:s20+$0xFFFFFFE0];
	v14 =	vmul.f32 v14, v14;
	v21 =	vmul.f32 v28, v5  }
0x137: {  	v11 =	vld [tilespmem:s20+$0x10];
	v20 =	vmul.f32 v20, v23;
	v27 =	vmul.f32 $5.000000000e-01, v4  }
0x138: {  	v5 =	vld [tilespmem:s19+$0xFFFFFFC0];
	v23 =	vmul.f32 v32, v32;
	v30 =	vmul.f32 v26, v26  }
0x139: {  	s28 =	simm.s32 $0x64C0;
	s29 =	simm.s32 $0xA0C0;
	v29 =	vpop (erf);
	v15 =	vsub.f32 $0.0e+00, v20;
	v28 =	vmul.f32 v24, v27;
	v24 =	vmul.f32 v25, v22;
	v27 =	vld [tilespmem:s20+$0xFFFFFFF0]  }
0x13a: {  	s14 =	simm.s32 $0xB4C0;
	s21 =	simm.s32 $0x7840;
	s22 =	simm.s32 $0x0;
	v4 =	vld [tilespmem:s19+$0xFFFFFFD0];
	v20 =	vsub.f32 $0.0e+00, v21;
	v21 =	vpop (erf);
	v25 =	vmul.f32 v23, v32;
	v23 =	vmul.f32 v33, v31  }
.LBB2_7:
0x13b: {  	v31 =	vld [tilespmem:s28+$0xFFFFFFD0];
	s22 =	sadd.s32 $0x8, s22;
	v28 =	vmul.f32 v29, v28;
	v22 =	vmul.f32 v22, v22;
	s20 =	sadd.s32 $0x80, s20;
	s18 =	sadd.s32 $0x80, s18  }
0x13c: {  	v26 =	vmul.f32 v30, v26;
	v12 =	vmul.f32 $5.000000000e-01, v12;
	v29 =	vld [tilespmem:s18+$0xFFFFFFF0];
	p1 =	slt.u32 s22, $0x130  }
0x13d: {  	v32 =	vmul.f32 v14, v14;
	v14 =	vmul.f32 v24, v24;
	v30 =	vld [tilespmem:s18+$0x0]  }
0x13e: {  	v13 =	vmul.f32 $5.000000000e-01, v13;
	v25 =	vsub.f32 $0.0e+00, v25;
	v27 =	vmul.f32 $5.000000000e-01, v27;
	v33 =	vld [tilespmem:s29+$0x0]  }
0x13f: {  	v26 =	vsub.f32 $0.0e+00, v26;
	v24 =	vmul.f32 v14, v24;
	v35 =	vmul.f32 v22, v22;
	v34 =	vld [tilespmem:s29+$0xFFFFFFF0]  }
0x140: {  	v17 =	vmul.f32 v17, v13;
	v22 =	vperm.xlane v9, v1;
	v36 =	vld [tilespmem:s18+$0xFFFFFFD0]  }
0x141: {  	v13 =	vperm.xlane v7, v1;
	v25 =	vmul.f32 $1.442695020e+00, v25;
	v37 =	vld [tilespmem:s18+$0x20]  }
0x142: {  	v11 =	vmul.f32 $5.000000000e-01, v11;
	v38 =	vld [tilespmem:s18+$0x10];
	(erf) = vpow2.f32 v19  }
0x143: {  	vm1 =	vne.s32 v2, v3;
	v21 =	vmul.f32 v21, v23;
	v14 =	vperm.xlane v4, v1;
	v19 =	vld [tilespmem:s29+$0xFFFFFFD0]  }
0x144: {  	v39 =	vmul.f32 v16, v16;
	v40 =	vmul.f32 v18, v18;
	v23 =	vmax.f32 v34, $9.999999970e-07;
	v34 =	vld [tilespmem:s28+$0x20]  }
0x145: {  	vm3 =	vne.s32 v4, v14;
	v26 =	vmul.f32 $1.442695020e+00, v26;
	v16 =	vmul.f32 v23, v29;
	v23 =	vld [tilespmem:s28+$0x0]  }
0x146: {  	v12 =	vmul.f32 v32, v12;
	v27 =	vmul.f32 v39, v27;
	v24 =	vsub.f32 $0.0e+00, v24;
	v29 =	vld [tilespmem:s28+$0xFFFFFFE0]  }
0x147: {  	v18 =	vperm.xlane v6, v1;
	vm4 =	vmor vm3, vm0;
	v32 =	vld [tilespmem:s29+$0x20];
	(erf) = vpow2.f32 v26;
	(xrf2) =	vadd.scan.msk.f32 $0xffff, v28  }
0x148: {  	v20 =	vmul.f32 $1.442695020e+00, v20;
	vm2 =	vne.s32 v7, v13;
	v24 =	vmul.f32 $1.442695020e+00, v24;
	v26 =	vld [tilespmem:s29+$0xFFFFFFC0]  }
0x149: {  	vm7 =	vne.s32 v6, v18;
	v39 =	vmul.f32 $1.442695020e+00, v15;
	v42 =	vmax.f32 v34, $9.999999970e-07;
	v34 =	vld [tilespmem:s29+$0x30]  }
0x14a: {  	vm9 =	vne.s32 v9, v22;
	v31 =	vmax.f32 v31, $9.999999970e-07;
	v41 =	vld [tilespmem:s18+$0xFFFFFFC0];
	(erf) = vpow2.f32 v24  }
0x14b: {  	v15 =	vperm.xlane v5, v1;
	vm8 =	vmor vm7, vm0;
	v24 =	vld [tilespmem:s28+$0x10];
	(erf) = vrcp.f32 v42;
	v28 =	vpop (erf)  }
0x14c: {  	vm6 =	vmor vm9, vm0;
	v33 =	vmax.f32 v33, $9.999999970e-07;
	v42 =	vld [tilespmem:s29+$0x10];
	(erf) = vpow2.f32 v39  }
0x14d: {  	v30 =	vmul.f32 v33, v30;
	v32 =	vmax.f32 v32, $9.999999970e-07;
	v33 =	vld [tilespmem:s21+$0x30];
	(erf) = vpow2.f32 v20;
	s21 =	smov.u32 s20  }
0x14e: {  	vm5 =	vmor vm2, vm0;
	v32 =	vmul.f32 v32, v37;
	v39 =	vld [tilespmem:s28+$0xFFFFFFC0];
	(erf) = vrcp.f32 v31  }
0x14f: {  	v23 =	vmax.f32 v23, $9.999999970e-07;
	v43 =	vmax.f32 v26, $9.999999970e-07;
	v26 =	vld [tilespmem:s28+$0xFFFFFFF0];
	(erf) = vpow2.f32 v25;
	(xrf2) =	vadd.scan.msk.f32 $0xffff, v21  }
0x150: {  	v10 =	vmul.f32 $5.000000000e-01, v10;
	v21 =	vmul.f32 v43, v41;
	v31 =	vld [tilespmem:s14+$0xFFFFFFE0];
	v37 =	vmax.f32 v24, $9.999999970e-07;
	v20 =	vpop (erf)  }
0x151: {  	v24 =	vmax.f32 v42, $9.999999970e-07;
	(erf) = vrcp.f32 v23;
	v25 =	vmul.f32 v20, v12;
	v20 =	vld [tilespmem:s19+$0x30];
	v41, _, _ =	vpop (xrf2)  }
0x152: {  	v12 =	vmax.f32 v19, $9.999999970e-07;
	v23 =	vmul.f32 v24, v38;
	[tilespmem:v9+s10+$0x0] =	vst.idx.add.f32.msk vm6, v41;
	v24 =	vmul.f32 $5.000000000e-01, v33  }
0x153: {  	v33 =	vmul.f32 v12, v36;
	vm6 =	vmor vm1, vm0;
	v19 =	vmax.f32 v39, $9.999999970e-07;
	v12 =	vld [tilespmem:s20+$0xFFFFFFE0];
	(xrf2) =	vadd.scan.msk.f32 $0xffff, v25;
	v36 =	vpop (erf)  }
0x154: {  	v8 =	vmul.f32 v8, v8;
	v25 =	vmul.f32 v40, v11;
	v26 =	vmax.f32 v26, $9.999999970e-07;
	v38 =	vpop (erf);
	v39 =	vld [tilespmem:s19+$0xFFFFFFF0];
	s19 =	smov.u32 s14  }
0x155: {  	v34 =	vmax.f32 v34, $9.999999970e-07;
	v35 =	vmul.f32 v35, v24;
	v32 =	vmul.f32 v32, v38;
	v40 =	vld [tilespmem:s28+$0x30];
	v9 =	vpop (erf)  }
0x156: {  	v42 =	vsub.f32 $0.0e+00, v41;
	v11 =	vld [tilespmem:s20+$0x10];
	(erf) = vrcp.f32 v19;
	v9 =	vmul.f32 v9, v27;
	v27 =	vpop (erf)  }
0x157: {  	v8 =	vmul.f32 v8, v10;
	v24 =	vld [tilespmem:s14+$0x0];
	v41 =	vpop (erf);
	v27 =	vmul.f32 v27, v25  }
0x158: {  	v33 =	vmul.f32 v33, v41;
	v25 =	vmul.f32 v41, v41;
	[tilespmem:v22+s10+$0x0] =	vst.idx.add.f32.msk vm9, v42;
	v19 =	vpop (erf);
	(xrf2) =	vadd.scan.msk.f32 $0xffff, v9  }
0x159: {  	v28 =	vmul.f32 v28, v8;
	v10 =	vld [tilespmem:s20+$0x0];
	v22 =	vperm.xlane v39, v1;
	v41, _, _ =	vpop (xrf2)  }
0x15a: {  	v17 =	vmul.f32 v19, v17;
	v9 =	vld [tilespmem:s14+$0x20];
	v8 =	vmax.f32 v40, $9.999999970e-07;
	v40 =	vpop (erf);
	(erf) = vrcp.f32 v37  }
0x15b: {  	v19 =	vmax.f32 v29, $9.999999970e-07;
	v29 =	vmul.f32 v32, v32;
	v37 =	vld [tilespmem:s14+$0xFFFFFFD0];
	(erf) = vrcp.f32 v26;
	(xrf2) =	vadd.scan.msk.f32 $0xffff, v27  }
0x15c: {  	v27 =	vmul.f32 v30, v40;
	vm9 =	vne.s32 v39, v22;
	v30 =	vmul.f32 v36, v35;
	v26 =	vld [tilespmem:s18+$0xFFFFFFE0]  }
0x15d: {  	v43 =	vmul.f32 v33, v33;
	vm10 =	vmor vm9, vm0;
	v36 =	vld [tilespmem:s29+$0xFFFFFFE0];
	(erf) = vrcp.f32 v8;
	v8, _, _ =	vpop (xrf2)  }
0x15e: {  	v29 =	vmul.f32 v29, v32;
	v42 =	vmul.f32 v27, v27;
	[tilespmem:v6+s10+$0x0] =	vst.idx.add.f32.msk vm8, v8;
	v44 =	vsub.f32 $0.0e+00, v8  }
0x15f: {  	v32 =	vmul.f32 v43, v33;
	v8 =	vmul.f32 v40, v40;
	vm8 =	vne.s32 v5, v15;
	v33 =	vld [tilespmem:s20+$0x20];
	v35 =	vpop (erf);
	(xrf2) =	vadd.scan.msk.f32 $0xffff, v17  }
0x160: {  	v40 =	vperm.xlane v20, v1;
	v17 =	vmul.f32 v42, v27;
	v27 =	vsub.f32 $0.0e+00, v29;
	[tilespmem:v18+s10+$0x0] =	vst.idx.add.f32.msk vm7, v44  }
0x161: {  	v6 =	vmovc v31;
	v29 =	vsub.f32 $0.0e+00, v32;
	v32 =	vmul.f32 v38, v38;
	v18 =	vld [tilespmem:s20+$0xFFFFFFD0];
	(erf) = vrcp.f32 v19  }
0x162: {  	vm7 =	vmor vm8, vm0;
	v43 =	vsub.f32 $0.0e+00, v17;
	v31 =	vld [tilespmem:s14+$0xFFFFFFC0];
	v19 =	vmax.f32 v36, $9.999999970e-07;
	v36, _, _ =	vpop (xrf2);
	(xrf2) =	vadd.scan.msk.f32 $0xffff, v28  }
0x163: {  	v27 =	vmul.f32 $1.442695020e+00, v27;
	v28 =	vmul.f32 $1.442695020e+00, v29;
	v29 =	vld [tilespmem:s18+$0x30];
	v38 =	vpop (erf);
	v44 =	vsub.f32 $0.0e+00, v36  }
0x164: {  	v26 =	vmul.f32 v19, v26;
	v19 =	vmul.f32 $1.442695020e+00, v43;
	v43 =	vsub.f32 $0.0e+00, v41;
	v17 =	vpop (erf);
	[tilespmem:v39+s10+$0x0] =	vst.idx.add.f32.msk vm10, v36  }
0x165: {  	v36 =	vmul.f32 v35, v35;
	v39 =	vmul.f32 v16, v17;
	[tilespmem:v22+s10+$0x0] =	vst.idx.add.f32.msk vm9, v44;
	v42, _, _ =	vpop (xrf2);
	(xrf2) =	vadd.scan.msk.f32 $0xffff, v30  }
0x166: {  	v16 =	vmul.f32 v17, v17;
	v30 =	vmul.f32 v32, v32;
	v22 =	vpop (erf);
	[tilespmem:v4+s10+$0x0] =	vst.idx.add.f32.msk vm4, v41;
	v4 =	vmov v37  }
0x167: {  	v17 =	vmul.f32 v36, v36;
	vm4 =	vne.s32 v20, v40;
	v32 =	vld [tilespmem:s14+$0x10];
	(erf) = vpow2.f32 v27  }
0x168: {  	v36 =	vmul.f32 $5.000000000e-01, v18;
	(erf) = vpow2.f32 v28;
	[tilespmem:v14+s10+$0x0] =	vst.idx.add.f32.msk vm3, v43;
	vm3 =	vmor vm4, vm0  }
0x169: {  	v18 =	vmul.f32 v38, v38;
	v41 =	vsub.f32 $0.0e+00, v42;
	v34 =	vmul.f32 v34, v29;
	[tilespmem:v7+s10+$0x0] =	vst.idx.add.f32.msk vm5, v42;
	v14, _, _ =	vpop (xrf2)  }
0x16a: {  	v23 =	vmul.f32 v23, v38;
	v37 =	vperm.xlane v24, v1;
	v27 =	vpop (erf);
	[tilespmem:v5+s10+$0x0] =	vst.idx.add.f32.msk vm7, v14;
	v14 =	vsub.f32 $0.0e+00, v14  }
0x16b: {  	v29 =	vmul.f32 v39, v39;
	v28 =	vmul.f32 $5.000000000e-01, v33;
	v5 =	vmov v31;
	[tilespmem:v13+s10+$0x0] =	vst.idx.add.f32.msk vm2, v41  }
0x16c: {  	v31 =	vmul.f32 v21, v35;
	v21 =	vmul.f32 v23, v23;
	[tilespmem:v15+s10+$0x0] =	vst.idx.add.f32.msk vm8, v14;
	v15, _, _ =	vpop (xrf2);
	v7 =	vmov v32  }
0x16d: {  	v26 =	vmul.f32 v26, v27;
	v14 =	vmul.f32 v27, v27;
	v13 =	vld [tilespmem:s20+$0xFFFFFFC0]  }
.Ltmp2:
0x16e: {  	v28 =	vmul.f32 v30, v28;
	v38 =	vmul.f32 v21, v23;
	v23 =	vsub.f32 $0.0e+00, v15;
	[tilespmem:v2+s10+$0x0] =	vst.idx.add.f32.msk vm6, v15;
	(pc) =	sbr.rel @p1 .LBB2_7-.Ltmp2, $4  }
0x16f: {  	v32 =	vmul.f32 v31, v31;
	v15 =	vmul.f32 v29, v39;
	v2 =	vmov v24;
	v27 =	vld [tilespmem:s20+$0xFFFFFFF0];
	v33, _, _ =	vpop (xrf2)  }
0x170: {  	v35 =	vmul.f32 v25, v25;
	v30 =	vmul.f32 v26, v26;
	v29 =	vpop (erf);
	[tilespmem:v20+s10+$0x0] =	vst.idx.add.f32.msk vm3, v33;
	v33 =	vsub.f32 $0.0e+00, v33  }
0x171: {  	v24 =	vmul.f32 v34, v22;
	v15 =	vsub.f32 $0.0e+00, v15;
	v20 =	vsub.f32 $0.0e+00, v38;
	v21 =	vpop (erf);
	[tilespmem:v3+s10+$0x0] =	vst.idx.add.f32.msk vm1, v23  }
0x172: {  	s28 =	sadd.s32 $0x80, s28;
	s29 =	sadd.s32 $0x80, s29;
	s14 =	sadd.s32 $0x80, s14;
	v25 =	vmul.f32 v32, v31;
	v23 =	vmul.f32 v35, v36;
	v3 =	vmov v37;
	[tilespmem:v40+s10+$0x0] =	vst.idx.add.f32.msk vm4, v33  }
0x173: {  	v31 =	vmul.f32 v24, v24;
	v26 =	vmul.f32 v30, v26;
	_ =	sdelay $0x1  }
0x174: {  	v24 =	vmul.f32 v31, v24;
	v26 =	vsub.f32 $0.0e+00, v26  }
0x175: {  	(erf) = vpow2.f32 v19  }
0x176: {  	v24 =	vsub.f32 $0.0e+00, v24;
	v26 =	vmul.f32 $1.442695020e+00, v26;
	_ =	sdelay $0x1  }
0x177: {  	v19 =	vmul.f32 $1.442695020e+00, v24;
	(erf) = vpow2.f32 v26  }
0x178: {  	v15 =	vmul.f32 $1.442695020e+00, v15  }
0x179: {  	v14 =	vmul.f32 v14, v14;
	(erf) = vpow2.f32 v19;
	v19 =	vsub.f32 $0.0e+00, v25  }
0x17a: {  	v20 =	vmul.f32 $1.442695020e+00, v20;
	(erf) = vpow2.f32 v15  }
0x17b: {  	v12 =	vmul.f32 $5.000000000e-01, v12;
	v19 =	vmul.f32 $1.442695020e+00, v19  }
0x17c: {  	v16 =	vmul.f32 v16, v16;
	(erf) = vpow2.f32 v20  }
0x17d: {  	v12 =	vmul.f32 v14, v12;
	v14 =	vpop (erf);
	(erf) = vpow2.f32 v19  }
0x17e: {  	v13 =	vmul.f32 $5.000000000e-01, v13;
	v15 =	vmul.f32 v29, v28  }
0x17f: {  	v11 =	vmul.f32 $5.000000000e-01, v11;
	v19 =	vmul.f32 v21, v23  }
0x180: {  	v18 =	vmul.f32 v18, v18;
	v24 =	vmul.f32 $5.000000000e-01, v27;
	(xrf2) =	vadd.scan.msk.f32 $0xffff, v15;
	v20 =	vpop (erf)  }
0x181: {  	v10 =	vmul.f32 $5.000000000e-01, v10;
	v12 =	vmul.f32 v20, v12  }
0x182: {  	v16 =	vmul.f32 v16, v24;
	v21 =	vperm.xlane v9, v1;
	(xrf2) =	vadd.scan.msk.f32 $0xffff, v19;
	v15 =	vpop (erf)  }
0x183: {  	v8 =	vmul.f32 v8, v8;
	v13 =	vmul.f32 v17, v13;
	v19 =	vpop (erf);
	(xrf2) =	vadd.scan.msk.f32 $0xffff, v12;
	v12 =	vld [tilespmem:s19+$0xFFFFFFF0]  }
0x184: {  	v11 =	vmul.f32 v18, v11;
	vm2 =	vne.s32 v9, v21;
	v16 =	vmul.f32 v19, v16;
	v19 =	vld [tilespmem:s21+$0x30]  }
0x185: {  	v8 =	vmul.f32 v8, v10;
	v10 =	vperm.xlane v7, v1;
	vm3 =	vmor vm2, vm0;
	v17 =	vpop (erf)  }
0x186: {  	v11 =	vmul.f32 v17, v11;
	(xrf2) =	vadd.scan.msk.f32 $0xffff, v16;
	v16 =	vperm.xlane v6, v1;
	v17 =	vpop (erf)  }
0x187: {  	v20 =	vmul.f32 v22, v22;
	v13 =	vmul.f32 v17, v13  }
0x188: {  	v17 =	vperm.xlane v4, v1;
	(xrf2) =	vadd.scan.msk.f32 $0xffff, v11;
	vm1 =	vne.s32 v6, v16;
	v18 =	vperm.xlane v12, v1  }
0x189: {  	v20 =	vmul.f32 v20, v20;
	vm4 =	vmor vm1, vm0;
	v19 =	vmul.f32 $5.000000000e-01, v19  }
0x18a: {  	v8 =	vmul.f32 v14, v8;
	v11, _, _ =	vpop (xrf2);
	vm7 =	vne.s32 v4, v17;
	vm5 =	vne.s32 v12, v18  }
0x18b: {  	v22 =	vsub.f32 $0.0e+00, v11;
	vm8 =	vmor vm7, vm0;
	[tilespmem:v9+s10+$0x0] =	vst.idx.add.f32.msk vm3, v11;
	v19 =	vmul.f32 v20, v19  }
0x18c: {  	(xrf2) =	vadd.scan.msk.f32 $0xffff, v13;
	vm3 =	vne.s32 v7, v10;
	vm6 =	vmor vm5, vm0;
	v13, _, _ =	vpop (xrf2);
	v20 =	vld [tilespmem:s19+$0x30]  }
0x18d: {  	(xrf2) =	vadd.scan.msk.f32 $0xffff, v8;
	[tilespmem:v21+s10+$0x0] =	vst.idx.add.f32.msk vm2, v22;
	vm2 =	vmor vm3, vm0;
	v9 =	vmul.f32 v15, v19;
	v11, _, _ =	vpop (xrf2)  }
0x18e: {  	v14 =	vperm.xlane v5, v1;
	v15 =	vsub.f32 $0.0e+00, v11  }
0x18f: {  	[tilespmem:v6+s10+$0x0] =	vst.idx.add.f32.msk vm4, v11;
	(xrf2) =	vadd.scan.msk.f32 $0xffff, v9  }
0x190: {  	vm4 =	vne.s32 v5, v14;
	[tilespmem:v16+s10+$0x0] =	vst.idx.add.f32.msk vm1, v15  }
0x191: {  	vm12 =	vne.s32 v2, v3;
	v6, _, _ =	vpop (xrf2);
	vm1 =	vmor vm4, vm0;
	v9 =	vperm.xlane v20, v1;
	[tilespmem:v4+s10+$0x0] =	vst.idx.add.f32.msk vm8, v13  }
0x192: {  	vm13 =	vmor vm12, vm0;
	v8 =	vsub.f32 $0.0e+00, v6;
	[tilespmem:v12+s10+$0x0] =	vst.idx.add.f32.msk vm6, v6;
	v6 =	vsub.f32 $0.0e+00, v13;
	v4, _, _ =	vpop (xrf2)  }
0x193: {  	vm14 =	vne.s32 v20, v9;
	[tilespmem:v7+s10+$0x0] =	vst.idx.add.f32.msk vm2, v4;
	v4 =	vsub.f32 $0.0e+00, v4  }
0x194: {  	[tilespmem:v18+s10+$0x0] =	vst.idx.add.f32.msk vm5, v8;
	vm15 =	vmor vm14, vm0  }
0x195: {  	[tilespmem:v17+s10+$0x0] =	vst.idx.add.f32.msk vm7, v6  }
0x196: {  	[tilespmem:v10+s10+$0x0] =	vst.idx.add.f32.msk vm3, v4;
	v6, _, _ =	vpop (xrf2)  }
0x197: {  	[tilespmem:v5+s10+$0x0] =	vst.idx.add.f32.msk vm1, v6;
	v5 =	vsub.f32 $0.0e+00, v6;
	v4, _, _ =	vpop (xrf2)  }
0x198: {  	[tilespmem:v2+s10+$0x0] =	vst.idx.add.f32.msk vm13, v4  }
0x199: {  	v2 =	vsub.f32 $0.0e+00, v4;
	[tilespmem:v14+s10+$0x0] =	vst.idx.add.f32.msk vm4, v5;
	v4, _, _ =	vpop (xrf2)  }
0x19a: {  	[tilespmem:v20+s10+$0x0] =	vst.idx.add.f32.msk vm15, v4;
	v4 =	vsub.f32 $0.0e+00, v4  }
0x19b: {  	[tilespmem:v3+s10+$0x0] =	vst.idx.add.f32.msk vm12, v2  }
0x19c: {  	[tilespmem:v9+s10+$0x0] =	vst.idx.add.f32.msk vm14, v4  }
0x19d: {  	_ =	swait.ge [sflag:s12], $0x1388  }
0x19e: {  	[sflag:s12] =	ssyncset.done $0x0  }
0x19f: {  	[sflag:s12] =	ssyncadd.s32 $0xFFFFEC78  }
0x1a0: {  	_ =	swait.ge [sflag:s12], $0x1388  }
0x1a1: {  	[sflag:s12] =	ssyncset.done $0x0  }
0x1a2: {  	[sflag:s12] =	ssyncadd.s32 $0xFFFFEC78  }
0x1a3: {  	_ =	swait.ge [sflag:s12], $0x1388  }
0x1a4: {  	[sflag:s12] =	ssyncset.done $0x0  }
0x1a5: {  	[sflag:s12] =	ssyncadd.s32 $0xFFFFEC78  }
0x1a6: {  	_ =	swait.ge [sflag:s12], $0x1388  }
0x1a7: {  	[sflag:s12] =	ssyncset.done $0x0  }
0x1a8: {  	[sflag:s12] =	ssyncadd.s32 $0xFFFFEC78  }
0x1a9: {  	s14 =	sadd.s32 @!p0 s17, s25;
	_ =	swait.ge [sflag:s12], $0x1388  }
0x1aa: {  	s20 =	simm.s32 @!p0 $0x6400;
	s14 =	sshrl.u32 @!p0 s14, $0x3;
	[sflag:s12] =	ssyncset.done $0x0  }
0x1ab: {  	s18 =	sadd.s32 @!p0 s0, s14;
	s19 =	simm.s32 @!p0 $0x0;
	[sflag:s12] =	ssyncadd.s32 $0xFFFFEC78  }
0x1ac: {  	[tilespmem:s20], [sflag:$0x2] =	stream.linear.gather @!p0 [hbm4b:s18+s19], $0x1388, $0x38;
	[tilespmem:$0x1A000] =	vst v63  }
0x1ad: {  	s18 =	sadd.s32 @!p0 s1, s14;
	s20 =	simm.s32 @!p0 $0x7800  }
0x1ae: {  	[tilespmem:s20], [sflag:$0x2] =	stream.linear.gather @!p0 [hbm4b:s18+s19], $0x1388, $0x38;
	[tilespmem:$0x1A000] =	vst v63  }
0x1af: {  	s18 =	sadd.s32 @!p0 s2, s14;
	s20 =	simm.s32 @!p0 $0x8C00  }
0x1b0: {  	[tilespmem:s20], [sflag:$0x2] =	stream.linear.gather @!p0 [hbm4b:s18+s19], $0x1388, $0x38;
	[tilespmem:$0x1A000] =	vst v63  }
0x1b1: {  	s18 =	sadd.s32 @!p0 s3, s14;
	s20 =	simm.s32 @!p0 $0xA000  }
0x1b2: {  	[tilespmem:s20], [sflag:$0x2] =	stream.linear.gather @!p0 [hbm4b:s18+s19], $0x1388, $0x38;
	[tilespmem:$0x1A000] =	vst v63  }
0x1b3: {  	s21 =	simm.s32 $0xC840;
	s14 =	sadd.s32 @!p0 s6, s14;
	s18 =	simm.s32 @!p0 $0xB400  }
0x1b4: {  	[tilespmem:s18], [sflag:$0x2] =	stream.linear.gather @!p0 [hbm4b:s14+s19], $0x1388, $0x38;
	[tilespmem:$0x1A000] =	vst v63  }
0x1b5: {  	s18 =	simm.s32 $0xF040;
	v2 =	vld [tilespmem:s21+$0xFFFFFFD0]  }
0x1b6: {  	v3 =	vld [tilespmem:s18+$0xFFFFFFF0]  }
0x1b7: {  	s22 =	simm.s32 $0x10440;
	v4 =	vld [tilespmem:s18+$0x0]  }
0x1b8: {  	v5 =	vld [tilespmem:s22+$0x0]  }
0x1b9: {  	v6 =	vld [tilespmem:s22+$0xFFFFFFF0]  }
0x1ba: {  	v7 =	vld [tilespmem:s21+$0x20]  }
0x1bb: {  	v8 =	vld [tilespmem:s18+$0xFFFFFFD0]  }
0x1bc: {  	v9 =	vld [tilespmem:s18+$0x20]  }
0x1bd: {  	v10 =	vld [tilespmem:s21+$0x0]  }
0x1be: {  	v11 =	vld [tilespmem:s18+$0x10]  }
0x1bf: {  	v12 =	vld [tilespmem:s22+$0xFFFFFFD0]  }
0x1c0: {  	v13 =	vld [tilespmem:s22+$0x20]  }
0x1c1: {  	v14 =	vld [tilespmem:s22+$0x10];
	v7 =	vmax.f32 v7, $9.999999970e-07  }
0x1c2: {  	v2 =	vmax.f32 v2, $9.999999970e-07;
	(erf) = vrcp.f32 v7;
	v7 =	vld [tilespmem:s22+$0xFFFFFFC0]  }
0x1c3: {  	v10 =	vmax.f32 v10, $9.999999970e-07;
	(erf) = vrcp.f32 v2;
	v2 =	vld [tilespmem:s18+$0xFFFFFFC0]  }
0x1c4: {  	(erf) = vrcp.f32 v10;
	v10 =	vld [tilespmem:s21+$0xFFFFFFC0]  }
0x1c5: {  	v15 =	vld [tilespmem:s21+$0x10];
	v6 =	vmax.f32 v6, $9.999999970e-07;
	v5 =	vmax.f32 v5, $9.999999970e-07  }
0x1c6: {  	v3 =	vmul.f32 v6, v3;
	v6 =	vld [tilespmem:s21+$0xFFFFFFF0];
	v4 =	vmul.f32 v5, v4;
	v5 =	vmax.f32 v13, $9.999999970e-07  }
0x1c7: {  	v5 =	vmul.f32 v5, v9;
	v9 =	vmax.f32 v14, $9.999999970e-07  }
0x1c8: {  	v9 =	vmul.f32 v9, v11;
	v11 =	vld [tilespmem:s21+$0x30];
	v7 =	vmax.f32 v7, $9.999999970e-07  }
0x1c9: {  	v7 =	vmul.f32 v7, v2;
	v2 =	vmax.f32 v12, $9.999999970e-07;
	v10 =	vmax.f32 v10, $9.999999970e-07  }
0x1ca: {  	v14 =	vld [tilespmem:s22+$0xFFFFFFE0];
	v2 =	vmul.f32 v2, v8;
	v8 =	vmax.f32 v15, $9.999999970e-07;
	(erf) = vrcp.f32 v10  }
0x1cb: {  	v16 =	vld [tilespmem:s18+$0xFFFFFFE0];
	v6 =	vmax.f32 v6, $9.999999970e-07;
	v12 =	vpop (erf);
	(erf) = vrcp.f32 v8  }
0x1cc: {  	v10 =	vpop (erf);
	v5 =	vmul.f32 v5, v12;
	(erf) = vrcp.f32 v6  }
0x1cd: {  	v13 =	vld [tilespmem:s21+$0xFFFFFFE0];
	v11 =	vmax.f32 v11, $9.999999970e-07;
	v2 =	vmul.f32 v2, v10;
	v8 =	vpop (erf);
	v15 =	vmul.f32 v10, v10  }
0x1ce: {  	(erf) = vrcp.f32 v11;
	v4 =	vmul.f32 v4, v8  }
0x1cf: {  	v11 =	vmax.f32 v14, $9.999999970e-07;
	v10 =	vmul.f32 v5, v5;
	v8 =	vmul.f32 v8, v8  }
0x1d0: {  	v21 =	vmul.f32 v11, v16;
	v6 =	vmul.f32 v2, v2  }
0x1d1: {  	v17 =	vmul.f32 v4, v4;
	v5 =	vmul.f32 v10, v5  }
0x1d2: {  	v10 =	vmul.f32 v12, v12;
	v2 =	vmul.f32 v6, v2;
	v6 =	vmax.f32 v13, $9.999999970e-07  }
0x1d3: {  	v4 =	vmul.f32 v17, v4;
	v5 =	vsub.f32 $0.0e+00, v5;
	(erf) = vrcp.f32 v6  }
0x1d4: {  	v14 =	vld [tilespmem:s22+$0x30];
	v33 =	vmul.f32 v15, v15;
	v24 =	vmul.f32 v10, v10;
	v2 =	vsub.f32 $0.0e+00, v2;
	v13 =	vpop (erf)  }
0x1d5: {  	s20 =	simm.s32 $0xDC40;
	v11 =	vld [tilespmem:s18+$0x30];
	v4 =	vsub.f32 $0.0e+00, v4;
	v5 =	vmul.f32 $1.442695020e+00, v5;
	v17 =	vmul.f32 v13, v13  }
0x1d6: {  	s19 =	simm.s32 $0x11840;
	v6 =	vld [tilespmem:s20+$0xFFFFFFD0];
	v20 =	vpop (erf);
	v32 =	vmul.f32 v7, v13;
	v12 =	vmul.f32 $1.442695020e+00, v2  }
0x1d7: {  	v2 =	vld [tilespmem:s19+$0x0];
	v18 =	vmul.f32 v20, v20;
	v19 =	vmul.f32 $1.442695020e+00, v4  }
0x1d8: {  	v10 =	vld [tilespmem:s20+$0x0];
	v17 =	vmul.f32 v17, v17;
	(erf) = vpow2.f32 v5  }
0x1d9: {  	v7 =	vld [tilespmem:s19+$0x10];
	v5 =	vmul.f32 v9, v20;
	(erf) = vpow2.f32 v12;
	v4 =	vpop (erf)  }
0x1da: {  	v23 =	vmul.f32 v3, v4;
	v16 =	vmul.f32 v4, v4;
	v4 =	vld [tilespmem:s20+$0x20]  }
0x1db: {  	v13 =	vld [tilespmem:s20+$0xFFFFFFC0];
	v31 =	vmul.f32 $5.000000000e-01, v6;
	v28 =	vmul.f32 v5, v5;
	v3 =	vmax.f32 v14, $9.999999970e-07;
	v22 =	vpop (erf)  }
0x1dc: {  	v9 =	vld [tilespmem:s19+$0x20];
	v25 =	vmul.f32 v3, v11;
	v3 =	vperm.xlane v2, v1;
	v14 =	vpop (erf)  }
0x1dd: {  	v6 =	vld [tilespmem:s19+$0xFFFFFFE0];
	v20 =	vmul.f32 v23, v23;
	v26 =	vmul.f32 v21, v14  }
0x1de: {  	v12 =	vld [tilespmem:s20+$0xFFFFFFE0];
	v14 =	vmul.f32 v14, v14;
	v21 =	vmul.f32 v28, v5  }
0x1df: {  	v11 =	vld [tilespmem:s20+$0x10];
	v20 =	vmul.f32 v20, v23;
	v27 =	vmul.f32 $5.000000000e-01, v4  }
0x1e0: {  	v5 =	vld [tilespmem:s19+$0xFFFFFFC0];
	v23 =	vmul.f32 v32, v32;
	v30 =	vmul.f32 v26, v26  }
0x1e1: {  	s28 =	simm.s32 $0xC8C0;
	s29 =	simm.s32 $0x104C0;
	v29 =	vpop (erf);
	v15 =	vsub.f32 $0.0e+00, v20;
	v28 =	vmul.f32 v24, v27;
	v24 =	vmul.f32 v25, v22;
	v27 =	vld [tilespmem:s20+$0xFFFFFFF0]  }
0x1e2: {  	s14 =	simm.s32 $0x118C0;
	s21 =	simm.s32 $0xDC40;
	s22 =	simm.s32 $0x0;
	v4 =	vld [tilespmem:s19+$0xFFFFFFD0];
	v20 =	vsub.f32 $0.0e+00, v21;
	v21 =	vpop (erf);
	v25 =	vmul.f32 v23, v32;
	v23 =	vmul.f32 v33, v31  }
.LBB2_9:
0x1e3: {  	v31 =	vld [tilespmem:s28+$0xFFFFFFD0];
	s22 =	sadd.s32 $0x8, s22;
	v28 =	vmul.f32 v29, v28;
	v22 =	vmul.f32 v22, v22;
	s20 =	sadd.s32 $0x80, s20;
	s18 =	sadd.s32 $0x80, s18  }
0x1e4: {  	v26 =	vmul.f32 v30, v26;
	v12 =	vmul.f32 $5.000000000e-01, v12;
	v29 =	vld [tilespmem:s18+$0xFFFFFFF0];
	p1 =	slt.u32 s22, $0x130  }
0x1e5: {  	v32 =	vmul.f32 v14, v14;
	v14 =	vmul.f32 v24, v24;
	v30 =	vld [tilespmem:s18+$0x0]  }
0x1e6: {  	v13 =	vmul.f32 $5.000000000e-01, v13;
	v25 =	vsub.f32 $0.0e+00, v25;
	v27 =	vmul.f32 $5.000000000e-01, v27;
	v33 =	vld [tilespmem:s29+$0x0]  }
0x1e7: {  	v26 =	vsub.f32 $0.0e+00, v26;
	v24 =	vmul.f32 v14, v24;
	v35 =	vmul.f32 v22, v22;
	v34 =	vld [tilespmem:s29+$0xFFFFFFF0]  }
0x1e8: {  	v17 =	vmul.f32 v17, v13;
	v22 =	vperm.xlane v9, v1;
	v36 =	vld [tilespmem:s18+$0xFFFFFFD0]  }
0x1e9: {  	v13 =	vperm.xlane v7, v1;
	v25 =	vmul.f32 $1.442695020e+00, v25;
	v37 =	vld [tilespmem:s18+$0x20]  }
0x1ea: {  	v11 =	vmul.f32 $5.000000000e-01, v11;
	v38 =	vld [tilespmem:s18+$0x10];
	(erf) = vpow2.f32 v19  }
0x1eb: {  	vm1 =	vne.s32 v2, v3;
	v21 =	vmul.f32 v21, v23;
	v14 =	vperm.xlane v4, v1;
	v19 =	vld [tilespmem:s29+$0xFFFFFFD0]  }
0x1ec: {  	v39 =	vmul.f32 v16, v16;
	v40 =	vmul.f32 v18, v18;
	v23 =	vmax.f32 v34, $9.999999970e-07;
	v34 =	vld [tilespmem:s28+$0x20]  }
0x1ed: {  	vm3 =	vne.s32 v4, v14;
	v26 =	vmul.f32 $1.442695020e+00, v26;
	v16 =	vmul.f32 v23, v29;
	v23 =	vld [tilespmem:s28+$0x0]  }
0x1ee: {  	v12 =	vmul.f32 v32, v12;
	v27 =	vmul.f32 v39, v27;
	v24 =	vsub.f32 $0.0e+00, v24;
	v29 =	vld [tilespmem:s28+$0xFFFFFFE0]  }
0x1ef: {  	v18 =	vperm.xlane v6, v1;
	vm4 =	vmor vm3, vm0;
	v32 =	vld [tilespmem:s29+$0x20];
	(erf) = vpow2.f32 v26;
	(xrf2) =	vadd.scan.msk.f32 $0xffff, v28  }
0x1f0: {  	v20 =	vmul.f32 $1.442695020e+00, v20;
	vm2 =	vne.s32 v7, v13;
	v24 =	vmul.f32 $1.442695020e+00, v24;
	v26 =	vld [tilespmem:s29+$0xFFFFFFC0]  }
0x1f1: {  	vm7 =	vne.s32 v6, v18;
	v39 =	vmul.f32 $1.442695020e+00, v15;
	v42 =	vmax.f32 v34, $9.999999970e-07;
	v34 =	vld [tilespmem:s29+$0x30]  }
0x1f2: {  	vm9 =	vne.s32 v9, v22;
	v31 =	vmax.f32 v31, $9.999999970e-07;
	v41 =	vld [tilespmem:s18+$0xFFFFFFC0];
	(erf) = vpow2.f32 v24  }
0x1f3: {  	v15 =	vperm.xlane v5, v1;
	vm8 =	vmor vm7, vm0;
	v24 =	vld [tilespmem:s28+$0x10];
	(erf) = vrcp.f32 v42;
	v28 =	vpop (erf)  }
0x1f4: {  	vm6 =	vmor vm9, vm0;
	v33 =	vmax.f32 v33, $9.999999970e-07;
	v42 =	vld [tilespmem:s29+$0x10];
	(erf) = vpow2.f32 v39  }
0x1f5: {  	v30 =	vmul.f32 v33, v30;
	v32 =	vmax.f32 v32, $9.999999970e-07;
	v33 =	vld [tilespmem:s21+$0x30];
	(erf) = vpow2.f32 v20;
	s21 =	smov.u32 s20  }
0x1f6: {  	vm5 =	vmor vm2, vm0;
	v32 =	vmul.f32 v32, v37;
	v39 =	vld [tilespmem:s28+$0xFFFFFFC0];
	(erf) = vrcp.f32 v31  }
0x1f7: {  	v23 =	vmax.f32 v23, $9.999999970e-07;
	v43 =	vmax.f32 v26, $9.999999970e-07;
	v26 =	vld [tilespmem:s28+$0xFFFFFFF0];
	(erf) = vpow2.f32 v25;
	(xrf2) =	vadd.scan.msk.f32 $0xffff, v21  }
0x1f8: {  	v10 =	vmul.f32 $5.000000000e-01, v10;
	v21 =	vmul.f32 v43, v41;
	v31 =	vld [tilespmem:s14+$0xFFFFFFE0];
	v37 =	vmax.f32 v24, $9.999999970e-07;
	v20 =	vpop (erf)  }
0x1f9: {  	v24 =	vmax.f32 v42, $9.999999970e-07;
	(erf) = vrcp.f32 v23;
	v25 =	vmul.f32 v20, v12;
	v20 =	vld [tilespmem:s19+$0x30];
	v41, _, _ =	vpop (xrf2)  }
0x1fa: {  	v12 =	vmax.f32 v19, $9.999999970e-07;
	v23 =	vmul.f32 v24, v38;
	[tilespmem:v9+s10+$0x0] =	vst.idx.add.f32.msk vm6, v41;
	v24 =	vmul.f32 $5.000000000e-01, v33  }
0x1fb: {  	v33 =	vmul.f32 v12, v36;
	vm6 =	vmor vm1, vm0;
	v19 =	vmax.f32 v39, $9.999999970e-07;
	v12 =	vld [tilespmem:s20+$0xFFFFFFE0];
	(xrf2) =	vadd.scan.msk.f32 $0xffff, v25;
	v36 =	vpop (erf)  }
0x1fc: {  	v8 =	vmul.f32 v8, v8;
	v25 =	vmul.f32 v40, v11;
	v26 =	vmax.f32 v26, $9.999999970e-07;
	v38 =	vpop (erf);
	v39 =	vld [tilespmem:s19+$0xFFFFFFF0];
	s19 =	smov.u32 s14  }
0x1fd: {  	v34 =	vmax.f32 v34, $9.999999970e-07;
	v35 =	vmul.f32 v35, v24;
	v32 =	vmul.f32 v32, v38;
	v40 =	vld [tilespmem:s28+$0x30];
	v9 =	vpop (erf)  }
0x1fe: {  	v42 =	vsub.f32 $0.0e+00, v41;
	v11 =	vld [tilespmem:s20+$0x10];
	(erf) = vrcp.f32 v19;
	v9 =	vmul.f32 v9, v27;
	v27 =	vpop (erf)  }
0x1ff: {  	v8 =	vmul.f32 v8, v10;
	v24 =	vld [tilespmem:s14+$0x0];
	v41 =	vpop (erf);
	v27 =	vmul.f32 v27, v25  }
0x200: {  	v33 =	vmul.f32 v33, v41;
	v25 =	vmul.f32 v41, v41;
	[tilespmem:v22+s10+$0x0] =	vst.idx.add.f32.msk vm9, v42;
	v19 =	vpop (erf);
	(xrf2) =	vadd.scan.msk.f32 $0xffff, v9  }
0x201: {  	v28 =	vmul.f32 v28, v8;
	v10 =	vld [tilespmem:s20+$0x0];
	v22 =	vperm.xlane v39, v1;
	v41, _, _ =	vpop (xrf2)  }
0x202: {  	v17 =	vmul.f32 v19, v17;
	v9 =	vld [tilespmem:s14+$0x20];
	v8 =	vmax.f32 v40, $9.999999970e-07;
	v40 =	vpop (erf);
	(erf) = vrcp.f32 v37  }
0x203: {  	v19 =	vmax.f32 v29, $9.999999970e-07;
	v29 =	vmul.f32 v32, v32;
	v37 =	vld [tilespmem:s14+$0xFFFFFFD0];
	(erf) = vrcp.f32 v26;
	(xrf2) =	vadd.scan.msk.f32 $0xffff, v27  }
0x204: {  	v27 =	vmul.f32 v30, v40;
	vm9 =	vne.s32 v39, v22;
	v30 =	vmul.f32 v36, v35;
	v26 =	vld [tilespmem:s18+$0xFFFFFFE0]  }
0x205: {  	v43 =	vmul.f32 v33, v33;
	vm10 =	vmor vm9, vm0;
	v36 =	vld [tilespmem:s29+$0xFFFFFFE0];
	(erf) = vrcp.f32 v8;
	v8, _, _ =	vpop (xrf2)  }
0x206: {  	v29 =	vmul.f32 v29, v32;
	v42 =	vmul.f32 v27, v27;
	[tilespmem:v6+s10+$0x0] =	vst.idx.add.f32.msk vm8, v8;
	v44 =	vsub.f32 $0.0e+00, v8  }
0x207: {  	v32 =	vmul.f32 v43, v33;
	v8 =	vmul.f32 v40, v40;
	vm8 =	vne.s32 v5, v15;
	v33 =	vld [tilespmem:s20+$0x20];
	v35 =	vpop (erf);
	(xrf2) =	vadd.scan.msk.f32 $0xffff, v17  }
0x208: {  	v40 =	vperm.xlane v20, v1;
	v17 =	vmul.f32 v42, v27;
	v27 =	vsub.f32 $0.0e+00, v29;
	[tilespmem:v18+s10+$0x0] =	vst.idx.add.f32.msk vm7, v44  }
0x209: {  	v6 =	vmovc v31;
	v29 =	vsub.f32 $0.0e+00, v32;
	v32 =	vmul.f32 v38, v38;
	v18 =	vld [tilespmem:s20+$0xFFFFFFD0];
	(erf) = vrcp.f32 v19  }
0x20a: {  	vm7 =	vmor vm8, vm0;
	v43 =	vsub.f32 $0.0e+00, v17;
	v31 =	vld [tilespmem:s14+$0xFFFFFFC0];
	v19 =	vmax.f32 v36, $9.999999970e-07;
	v36, _, _ =	vpop (xrf2);
	(xrf2) =	vadd.scan.msk.f32 $0xffff, v28  }
0x20b: {  	v27 =	vmul.f32 $1.442695020e+00, v27;
	v28 =	vmul.f32 $1.442695020e+00, v29;
	v29 =	vld [tilespmem:s18+$0x30];
	v38 =	vpop (erf);
	v44 =	vsub.f32 $0.0e+00, v36  }
0x20c: {  	v26 =	vmul.f32 v19, v26;
	v19 =	vmul.f32 $1.442695020e+00, v43;
	v43 =	vsub.f32 $0.0e+00, v41;
	v17 =	vpop (erf);
	[tilespmem:v39+s10+$0x0] =	vst.idx.add.f32.msk vm10, v36  }
0x20d: {  	v36 =	vmul.f32 v35, v35;
	v39 =	vmul.f32 v16, v17;
	[tilespmem:v22+s10+$0x0] =	vst.idx.add.f32.msk vm9, v44;
	v42, _, _ =	vpop (xrf2);
	(xrf2) =	vadd.scan.msk.f32 $0xffff, v30  }
0x20e: {  	v16 =	vmul.f32 v17, v17;
	v30 =	vmul.f32 v32, v32;
	v22 =	vpop (erf);
	[tilespmem:v4+s10+$0x0] =	vst.idx.add.f32.msk vm4, v41;
	v4 =	vmov v37  }
0x20f: {  	v17 =	vmul.f32 v36, v36;
	vm4 =	vne.s32 v20, v40;
	v32 =	vld [tilespmem:s14+$0x10];
	(erf) = vpow2.f32 v27  }
0x210: {  	v36 =	vmul.f32 $5.000000000e-01, v18;
	(erf) = vpow2.f32 v28;
	[tilespmem:v14+s10+$0x0] =	vst.idx.add.f32.msk vm3, v43;
	vm3 =	vmor vm4, vm0  }
0x211: {  	v18 =	vmul.f32 v38, v38;
	v41 =	vsub.f32 $0.0e+00, v42;
	v34 =	vmul.f32 v34, v29;
	[tilespmem:v7+s10+$0x0] =	vst.idx.add.f32.msk vm5, v42;
	v14, _, _ =	vpop (xrf2)  }
0x212: {  	v23 =	vmul.f32 v23, v38;
	v37 =	vperm.xlane v24, v1;
	v27 =	vpop (erf);
	[tilespmem:v5+s10+$0x0] =	vst.idx.add.f32.msk vm7, v14;
	v14 =	vsub.f32 $0.0e+00, v14  }
0x213: {  	v29 =	vmul.f32 v39, v39;
	v28 =	vmul.f32 $5.000000000e-01, v33;
	v5 =	vmov v31;
	[tilespmem:v13+s10+$0x0] =	vst.idx.add.f32.msk vm2, v41  }
0x214: {  	v31 =	vmul.f32 v21, v35;
	v21 =	vmul.f32 v23, v23;
	[tilespmem:v15+s10+$0x0] =	vst.idx.add.f32.msk vm8, v14;
	v15, _, _ =	vpop (xrf2);
	v7 =	vmov v32  }
0x215: {  	v26 =	vmul.f32 v26, v27;
	v14 =	vmul.f32 v27, v27;
	v13 =	vld [tilespmem:s20+$0xFFFFFFC0]  }
.Ltmp3:
0x216: {  	v28 =	vmul.f32 v30, v28;
	v38 =	vmul.f32 v21, v23;
	v23 =	vsub.f32 $0.0e+00, v15;
	[tilespmem:v2+s10+$0x0] =	vst.idx.add.f32.msk vm6, v15;
	(pc) =	sbr.rel @p1 .LBB2_9-.Ltmp3, $4  }
0x217: {  	v32 =	vmul.f32 v31, v31;
	v15 =	vmul.f32 v29, v39;
	v2 =	vmov v24;
	v27 =	vld [tilespmem:s20+$0xFFFFFFF0];
	v33, _, _ =	vpop (xrf2)  }
0x218: {  	v35 =	vmul.f32 v25, v25;
	v30 =	vmul.f32 v26, v26;
	v29 =	vpop (erf);
	[tilespmem:v20+s10+$0x0] =	vst.idx.add.f32.msk vm3, v33;
	v33 =	vsub.f32 $0.0e+00, v33  }
0x219: {  	v24 =	vmul.f32 v34, v22;
	v15 =	vsub.f32 $0.0e+00, v15;
	v20 =	vsub.f32 $0.0e+00, v38;
	v21 =	vpop (erf);
	[tilespmem:v3+s10+$0x0] =	vst.idx.add.f32.msk vm1, v23  }
0x21a: {  	s28 =	sadd.s32 $0x80, s28;
	s29 =	sadd.s32 $0x80, s29;
	s14 =	sadd.s32 $0x80, s14;
	v25 =	vmul.f32 v32, v31;
	v23 =	vmul.f32 v35, v36;
	v3 =	vmov v37;
	[tilespmem:v40+s10+$0x0] =	vst.idx.add.f32.msk vm4, v33  }
0x21b: {  	v31 =	vmul.f32 v24, v24;
	v26 =	vmul.f32 v30, v26;
	_ =	sdelay $0x1  }
0x21c: {  	v24 =	vmul.f32 v31, v24;
	v26 =	vsub.f32 $0.0e+00, v26  }
0x21d: {  	(erf) = vpow2.f32 v19  }
0x21e: {  	v24 =	vsub.f32 $0.0e+00, v24;
	v26 =	vmul.f32 $1.442695020e+00, v26;
	_ =	sdelay $0x1  }
0x21f: {  	v19 =	vmul.f32 $1.442695020e+00, v24;
	(erf) = vpow2.f32 v26  }
0x220: {  	v15 =	vmul.f32 $1.442695020e+00, v15  }
0x221: {  	v14 =	vmul.f32 v14, v14;
	(erf) = vpow2.f32 v19;
	v19 =	vsub.f32 $0.0e+00, v25  }
0x222: {  	v20 =	vmul.f32 $1.442695020e+00, v20;
	(erf) = vpow2.f32 v15  }
0x223: {  	v12 =	vmul.f32 $5.000000000e-01, v12;
	v19 =	vmul.f32 $1.442695020e+00, v19  }
0x224: {  	v16 =	vmul.f32 v16, v16;
	(erf) = vpow2.f32 v20  }
0x225: {  	v12 =	vmul.f32 v14, v12;
	v14 =	vpop (erf);
	(erf) = vpow2.f32 v19  }
0x226: {  	v13 =	vmul.f32 $5.000000000e-01, v13;
	v15 =	vmul.f32 v29, v28  }
0x227: {  	v11 =	vmul.f32 $5.000000000e-01, v11;
	v19 =	vmul.f32 v21, v23  }
0x228: {  	v18 =	vmul.f32 v18, v18;
	v24 =	vmul.f32 $5.000000000e-01, v27;
	(xrf2) =	vadd.scan.msk.f32 $0xffff, v15;
	v20 =	vpop (erf)  }
0x229: {  	v10 =	vmul.f32 $5.000000000e-01, v10;
	v12 =	vmul.f32 v20, v12  }
0x22a: {  	v16 =	vmul.f32 v16, v24;
	v21 =	vperm.xlane v9, v1;
	(xrf2) =	vadd.scan.msk.f32 $0xffff, v19;
	v15 =	vpop (erf)  }
0x22b: {  	v8 =	vmul.f32 v8, v8;
	v13 =	vmul.f32 v17, v13;
	v19 =	vpop (erf);
	(xrf2) =	vadd.scan.msk.f32 $0xffff, v12;
	v12 =	vld [tilespmem:s19+$0xFFFFFFF0]  }
0x22c: {  	v11 =	vmul.f32 v18, v11;
	vm2 =	vne.s32 v9, v21;
	v16 =	vmul.f32 v19, v16;
	v19 =	vld [tilespmem:s21+$0x30]  }
0x22d: {  	v8 =	vmul.f32 v8, v10;
	v10 =	vperm.xlane v7, v1;
	vm3 =	vmor vm2, vm0;
	v17 =	vpop (erf)  }
0x22e: {  	v11 =	vmul.f32 v17, v11;
	(xrf2) =	vadd.scan.msk.f32 $0xffff, v16;
	v16 =	vperm.xlane v6, v1;
	v17 =	vpop (erf)  }
0x22f: {  	v20 =	vmul.f32 v22, v22;
	v13 =	vmul.f32 v17, v13  }
0x230: {  	v17 =	vperm.xlane v4, v1;
	(xrf2) =	vadd.scan.msk.f32 $0xffff, v11;
	vm1 =	vne.s32 v6, v16;
	v18 =	vperm.xlane v12, v1  }
0x231: {  	v20 =	vmul.f32 v20, v20;
	vm4 =	vmor vm1, vm0;
	v19 =	vmul.f32 $5.000000000e-01, v19  }
0x232: {  	v8 =	vmul.f32 v14, v8;
	v11, _, _ =	vpop (xrf2);
	vm7 =	vne.s32 v4, v17;
	vm5 =	vne.s32 v12, v18  }
0x233: {  	v22 =	vsub.f32 $0.0e+00, v11;
	vm8 =	vmor vm7, vm0;
	[tilespmem:v9+s10+$0x0] =	vst.idx.add.f32.msk vm3, v11;
	v19 =	vmul.f32 v20, v19  }
0x234: {  	(xrf2) =	vadd.scan.msk.f32 $0xffff, v13;
	vm3 =	vne.s32 v7, v10;
	vm6 =	vmor vm5, vm0;
	v13, _, _ =	vpop (xrf2);
	v20 =	vld [tilespmem:s19+$0x30]  }
0x235: {  	(xrf2) =	vadd.scan.msk.f32 $0xffff, v8;
	[tilespmem:v21+s10+$0x0] =	vst.idx.add.f32.msk vm2, v22;
	vm2 =	vmor vm3, vm0;
	v9 =	vmul.f32 v15, v19;
	v11, _, _ =	vpop (xrf2)  }
0x236: {  	v14 =	vperm.xlane v5, v1;
	v15 =	vsub.f32 $0.0e+00, v11  }
0x237: {  	[tilespmem:v6+s10+$0x0] =	vst.idx.add.f32.msk vm4, v11;
	(xrf2) =	vadd.scan.msk.f32 $0xffff, v9  }
0x238: {  	vm4 =	vne.s32 v5, v14;
	[tilespmem:v16+s10+$0x0] =	vst.idx.add.f32.msk vm1, v15  }
0x239: {  	vm12 =	vne.s32 v2, v3;
	v6, _, _ =	vpop (xrf2);
	vm1 =	vmor vm4, vm0;
	v9 =	vperm.xlane v20, v1;
	[tilespmem:v4+s10+$0x0] =	vst.idx.add.f32.msk vm8, v13  }
0x23a: {  	vm13 =	vmor vm12, vm0;
	v8 =	vsub.f32 $0.0e+00, v6;
	[tilespmem:v12+s10+$0x0] =	vst.idx.add.f32.msk vm6, v6;
	v6 =	vsub.f32 $0.0e+00, v13;
	v4, _, _ =	vpop (xrf2)  }
0x23b: {  	vm14 =	vne.s32 v20, v9;
	[tilespmem:v7+s10+$0x0] =	vst.idx.add.f32.msk vm2, v4;
	v4 =	vsub.f32 $0.0e+00, v4  }
0x23c: {  	[tilespmem:v18+s10+$0x0] =	vst.idx.add.f32.msk vm5, v8;
	vm15 =	vmor vm14, vm0  }
0x23d: {  	[tilespmem:v17+s10+$0x0] =	vst.idx.add.f32.msk vm7, v6  }
0x23e: {  	[tilespmem:v10+s10+$0x0] =	vst.idx.add.f32.msk vm3, v4;
	v6, _, _ =	vpop (xrf2)  }
0x23f: {  	[tilespmem:v5+s10+$0x0] =	vst.idx.add.f32.msk vm1, v6;
	v5 =	vsub.f32 $0.0e+00, v6;
	v4, _, _ =	vpop (xrf2)  }
0x240: {  	[tilespmem:v2+s10+$0x0] =	vst.idx.add.f32.msk vm13, v4  }
0x241: {  	v2 =	vsub.f32 $0.0e+00, v4;
	[tilespmem:v14+s10+$0x0] =	vst.idx.add.f32.msk vm4, v5;
	v4, _, _ =	vpop (xrf2)  }
0x242: {  	[tilespmem:v20+s10+$0x0] =	vst.idx.add.f32.msk vm15, v4;
	v4 =	vsub.f32 $0.0e+00, v4  }
0x243: {  	[tilespmem:v3+s10+$0x0] =	vst.idx.add.f32.msk vm12, v2  }
0x244: {  	[tilespmem:v9+s10+$0x0] =	vst.idx.add.f32.msk vm14, v4  }
0x245: {  	_ =	swait.ge [sflag:s13], $0x1388  }
0x246: {  	[sflag:s13] =	ssyncset.done $0x0  }
0x247: {  	[sflag:s13] =	ssyncadd.s32 $0xFFFFEC78  }
0x248: {  	_ =	swait.ge [sflag:s13], $0x1388  }
0x249: {  	[sflag:s13] =	ssyncset.done $0x0  }
0x24a: {  	[sflag:s13] =	ssyncadd.s32 $0xFFFFEC78  }
0x24b: {  	_ =	swait.ge [sflag:s13], $0x1388  }
0x24c: {  	[sflag:s13] =	ssyncset.done $0x0  }
0x24d: {  	[sflag:s13] =	ssyncadd.s32 $0xFFFFEC78  }
0x24e: {  	_ =	swait.ge [sflag:s13], $0x1388  }
0x24f: {  	[sflag:s13] =	ssyncset.done $0x0  }
0x250: {  	[sflag:s13] =	ssyncadd.s32 $0xFFFFEC78  }
0x251: {  	s14 =	sadd.s32 @!p0 s17, s26;
	_ =	swait.ge [sflag:s13], $0x1388  }
0x252: {  	s18 =	simm.s32 @!p0 $0x0;
	s14 =	sshrl.u32 @!p0 s14, $0x3;
	[sflag:s13] =	ssyncset.done $0x0  }
0x253: {  	s17 =	sadd.s32 @!p0 s0, s14;
	s19 =	simm.s32 @!p0 $0xC800;
	[sflag:s13] =	ssyncadd.s32 $0xFFFFEC78  }
0x254: {  	[tilespmem:s19], [sflag:$0x3] =	stream.linear.gather @!p0 [hbm4b:s17+s18], $0x1388, $0x38;
	[tilespmem:$0x1A000] =	vst v63  }
0x255: {  	s17 =	sadd.s32 @!p0 s1, s14;
	s19 =	simm.s32 @!p0 $0xDC00  }
0x256: {  	[tilespmem:s19], [sflag:$0x3] =	stream.linear.gather @!p0 [hbm4b:s17+s18], $0x1388, $0x38;
	[tilespmem:$0x1A000] =	vst v63  }
0x257: {  	s17 =	sadd.s32 @!p0 s2, s14;
	s19 =	simm.s32 @!p0 $0xF000  }
0x258: {  	[tilespmem:s19], [sflag:$0x3] =	stream.linear.gather @!p0 [hbm4b:s17+s18], $0x1388, $0x38;
	[tilespmem:$0x1A000] =	vst v63  }
0x259: {  	s17 =	sadd.s32 @!p0 s3, s14;
	s19 =	simm.s32 @!p0 $0x10400  }
0x25a: {  	[tilespmem:s19], [sflag:$0x3] =	stream.linear.gather @!p0 [hbm4b:s17+s18], $0x1388, $0x38;
	[tilespmem:$0x1A000] =	vst v63  }
0x25b: {  	s22 =	simm.s32 $0x12C40;
	s14 =	sadd.s32 @!p0 s6, s14;
	s17 =	simm.s32 @!p0 $0x11800  }
0x25c: {  	[tilespmem:s17], [sflag:$0x3] =	stream.linear.gather @!p0 [hbm4b:s14+s18], $0x1388, $0x38;
	[tilespmem:$0x1A000] =	vst v63  }
0x25d: {  	s17 =	simm.s32 $0x15440;
	v2 =	vld [tilespmem:s22+$0xFFFFFFD0]  }
0x25e: {  	v3 =	vld [tilespmem:s17+$0xFFFFFFF0]  }
0x25f: {  	s29 =	simm.s32 $0x16840;
	v4 =	vld [tilespmem:s17+$0x0]  }
0x260: {  	v5 =	vld [tilespmem:s29+$0x0]  }
0x261: {  	v6 =	vld [tilespmem:s29+$0xFFFFFFF0]  }
0x262: {  	v7 =	vld [tilespmem:s22+$0x20]  }
0x263: {  	v8 =	vld [tilespmem:s17+$0xFFFFFFD0]  }
0x264: {  	v9 =	vld [tilespmem:s17+$0x20]  }
0x265: {  	v10 =	vld [tilespmem:s22+$0x0]  }
0x266: {  	v11 =	vld [tilespmem:s17+$0x10]  }
0x267: {  	v12 =	vld [tilespmem:s29+$0xFFFFFFD0]  }
0x268: {  	v13 =	vld [tilespmem:s29+$0x20]  }
0x269: {  	v14 =	vld [tilespmem:s29+$0x10];
	v7 =	vmax.f32 v7, $9.999999970e-07  }
0x26a: {  	v2 =	vmax.f32 v2, $9.999999970e-07;
	(erf) = vrcp.f32 v7;
	v7 =	vld [tilespmem:s29+$0xFFFFFFC0]  }
0x26b: {  	v10 =	vmax.f32 v10, $9.999999970e-07;
	(erf) = vrcp.f32 v2;
	v2 =	vld [tilespmem:s17+$0xFFFFFFC0]  }
0x26c: {  	(erf) = vrcp.f32 v10;
	v10 =	vld [tilespmem:s22+$0xFFFFFFC0]  }
0x26d: {  	v15 =	vld [tilespmem:s22+$0x10];
	v6 =	vmax.f32 v6, $9.999999970e-07;
	v5 =	vmax.f32 v5, $9.999999970e-07  }
0x26e: {  	v3 =	vmul.f32 v6, v3;
	v6 =	vld [tilespmem:s22+$0xFFFFFFF0];
	v4 =	vmul.f32 v5, v4;
	v5 =	vmax.f32 v13, $9.999999970e-07  }
0x26f: {  	v5 =	vmul.f32 v5, v9;
	v9 =	vmax.f32 v14, $9.999999970e-07  }
0x270: {  	v9 =	vmul.f32 v9, v11;
	v11 =	vld [tilespmem:s22+$0x30];
	v7 =	vmax.f32 v7, $9.999999970e-07  }
0x271: {  	v7 =	vmul.f32 v7, v2;
	v2 =	vmax.f32 v12, $9.999999970e-07;
	v10 =	vmax.f32 v10, $9.999999970e-07  }
0x272: {  	v14 =	vld [tilespmem:s29+$0xFFFFFFE0];
	v2 =	vmul.f32 v2, v8;
	v8 =	vmax.f32 v15, $9.999999970e-07;
	(erf) = vrcp.f32 v10  }
0x273: {  	v16 =	vld [tilespmem:s17+$0xFFFFFFE0];
	v6 =	vmax.f32 v6, $9.999999970e-07;
	v12 =	vpop (erf);
	(erf) = vrcp.f32 v8  }
0x274: {  	v10 =	vpop (erf);
	v5 =	vmul.f32 v5, v12;
	(erf) = vrcp.f32 v6  }
0x275: {  	v13 =	vld [tilespmem:s22+$0xFFFFFFE0];
	v11 =	vmax.f32 v11, $9.999999970e-07;
	v2 =	vmul.f32 v2, v10;
	v8 =	vpop (erf);
	v15 =	vmul.f32 v10, v10  }
0x276: {  	(erf) = vrcp.f32 v11;
	v4 =	vmul.f32 v4, v8  }
0x277: {  	v11 =	vmax.f32 v14, $9.999999970e-07;
	v10 =	vmul.f32 v5, v5;
	v8 =	vmul.f32 v8, v8  }
0x278: {  	v21 =	vmul.f32 v11, v16;
	v6 =	vmul.f32 v2, v2  }
0x279: {  	v17 =	vmul.f32 v4, v4;
	v5 =	vmul.f32 v10, v5  }
0x27a: {  	v10 =	vmul.f32 v12, v12;
	v2 =	vmul.f32 v6, v2;
	v6 =	vmax.f32 v13, $9.999999970e-07  }
0x27b: {  	v4 =	vmul.f32 v17, v4;
	v5 =	vsub.f32 $0.0e+00, v5;
	(erf) = vrcp.f32 v6  }
0x27c: {  	v14 =	vld [tilespmem:s29+$0x30];
	v33 =	vmul.f32 v15, v15;
	v24 =	vmul.f32 v10, v10;
	v2 =	vsub.f32 $0.0e+00, v2;
	v13 =	vpop (erf)  }
0x27d: {  	s19 =	simm.s32 $0x14040;
	v11 =	vld [tilespmem:s17+$0x30];
	v4 =	vsub.f32 $0.0e+00, v4;
	v5 =	vmul.f32 $1.442695020e+00, v5;
	v17 =	vmul.f32 v13, v13  }
0x27e: {  	s18 =	simm.s32 $0x17C40;
	v6 =	vld [tilespmem:s19+$0xFFFFFFD0];
	v20 =	vpop (erf);
	v32 =	vmul.f32 v7, v13;
	v12 =	vmul.f32 $1.442695020e+00, v2  }
0x27f: {  	v2 =	vld [tilespmem:s18+$0x0];
	v18 =	vmul.f32 v20, v20;
	v19 =	vmul.f32 $1.442695020e+00, v4  }
0x280: {  	v10 =	vld [tilespmem:s19+$0x0];
	v17 =	vmul.f32 v17, v17;
	(erf) = vpow2.f32 v5  }
0x281: {  	v7 =	vld [tilespmem:s18+$0x10];
	v5 =	vmul.f32 v9, v20;
	(erf) = vpow2.f32 v12;
	v4 =	vpop (erf)  }
0x282: {  	v23 =	vmul.f32 v3, v4;
	v16 =	vmul.f32 v4, v4;
	v4 =	vld [tilespmem:s19+$0x20]  }
0x283: {  	v13 =	vld [tilespmem:s19+$0xFFFFFFC0];
	v31 =	vmul.f32 $5.000000000e-01, v6;
	v28 =	vmul.f32 v5, v5;
	v3 =	vmax.f32 v14, $9.999999970e-07;
	v22 =	vpop (erf)  }
0x284: {  	v9 =	vld [tilespmem:s18+$0x20];
	v25 =	vmul.f32 v3, v11;
	v3 =	vperm.xlane v2, v1;
	v14 =	vpop (erf)  }
0x285: {  	v6 =	vld [tilespmem:s18+$0xFFFFFFE0];
	v20 =	vmul.f32 v23, v23;
	v26 =	vmul.f32 v21, v14  }
0x286: {  	v12 =	vld [tilespmem:s19+$0xFFFFFFE0];
	v14 =	vmul.f32 v14, v14;
	v21 =	vmul.f32 v28, v5  }
0x287: {  	v11 =	vld [tilespmem:s19+$0x10];
	v20 =	vmul.f32 v20, v23;
	v27 =	vmul.f32 $5.000000000e-01, v4  }
0x288: {  	v5 =	vld [tilespmem:s18+$0xFFFFFFC0];
	v23 =	vmul.f32 v32, v32;
	v30 =	vmul.f32 v26, v26  }
0x289: {  	s28 =	simm.s32 $0x168C0;
	s20 =	simm.s32 $0x14040;
	v29 =	vpop (erf);
	v15 =	vsub.f32 $0.0e+00, v20;
	v28 =	vmul.f32 v24, v27;
	v24 =	vmul.f32 v25, v22;
	v27 =	vld [tilespmem:s19+$0xFFFFFFF0]  }
0x28a: {  	s21 =	simm.s32 $0x0;
	s14 =	simm.s32 $0x17CC0;
	s22 =	simm.s32 $0x12CC0;
	v4 =	vld [tilespmem:s18+$0xFFFFFFD0];
	v20 =	vsub.f32 $0.0e+00, v21;
	v21 =	vpop (erf);
	v25 =	vmul.f32 v23, v32;
	v23 =	vmul.f32 v33, v31  }
.LBB2_11:
0x28b: {  	v31 =	vld [tilespmem:s22+$0xFFFFFFD0];
	s21 =	sadd.s32 $0x8, s21;
	v28 =	vmul.f32 v29, v28;
	v22 =	vmul.f32 v22, v22;
	s19 =	sadd.s32 $0x80, s19;
	s17 =	sadd.s32 $0x80, s17  }
0x28c: {  	v26 =	vmul.f32 v30, v26;
	v12 =	vmul.f32 $5.000000000e-01, v12;
	v29 =	vld [tilespmem:s17+$0xFFFFFFF0];
	p0 =	slt.u32 s21, $0x130  }
0x28d: {  	v32 =	vmul.f32 v14, v14;
	v14 =	vmul.f32 v24, v24;
	v30 =	vld [tilespmem:s17+$0x0]  }
0x28e: {  	v13 =	vmul.f32 $5.000000000e-01, v13;
	v25 =	vsub.f32 $0.0e+00, v25;
	v27 =	vmul.f32 $5.000000000e-01, v27;
	v33 =	vld [tilespmem:s28+$0x0]  }
0x28f: {  	v26 =	vsub.f32 $0.0e+00, v26;
	v24 =	vmul.f32 v14, v24;
	v35 =	vmul.f32 v22, v22;
	v34 =	vld [tilespmem:s28+$0xFFFFFFF0]  }
0x290: {  	v17 =	vmul.f32 v17, v13;
	v22 =	vperm.xlane v9, v1;
	v36 =	vld [tilespmem:s17+$0xFFFFFFD0]  }
0x291: {  	v13 =	vperm.xlane v7, v1;
	v25 =	vmul.f32 $1.442695020e+00, v25;
	v37 =	vld [tilespmem:s17+$0x20]  }
0x292: {  	v11 =	vmul.f32 $5.000000000e-01, v11;
	v38 =	vld [tilespmem:s17+$0x10];
	(erf) = vpow2.f32 v19  }
0x293: {  	vm1 =	vne.s32 v2, v3;
	v21 =	vmul.f32 v21, v23;
	v14 =	vperm.xlane v4, v1;
	v19 =	vld [tilespmem:s28+$0xFFFFFFD0]  }
0x294: {  	v39 =	vmul.f32 v16, v16;
	v40 =	vmul.f32 v18, v18;
	v23 =	vmax.f32 v34, $9.999999970e-07;
	v34 =	vld [tilespmem:s22+$0x20]  }
0x295: {  	vm3 =	vne.s32 v4, v14;
	v26 =	vmul.f32 $1.442695020e+00, v26;
	v16 =	vmul.f32 v23, v29;
	v23 =	vld [tilespmem:s22+$0x0]  }
0x296: {  	v12 =	vmul.f32 v32, v12;
	v27 =	vmul.f32 v39, v27;
	v24 =	vsub.f32 $0.0e+00, v24;
	v29 =	vld [tilespmem:s22+$0xFFFFFFE0]  }
0x297: {  	v18 =	vperm.xlane v6, v1;
	vm4 =	vmor vm3, vm0;
	v32 =	vld [tilespmem:s28+$0x20];
	(erf) = vpow2.f32 v26;
	(xrf2) =	vadd.scan.msk.f32 $0xffff, v28  }
0x298: {  	v20 =	vmul.f32 $1.442695020e+00, v20;
	vm2 =	vne.s32 v7, v13;
	v24 =	vmul.f32 $1.442695020e+00, v24;
	v26 =	vld [tilespmem:s28+$0xFFFFFFC0]  }
0x299: {  	vm7 =	vne.s32 v6, v18;
	v39 =	vmul.f32 $1.442695020e+00, v15;
	v42 =	vmax.f32 v34, $9.999999970e-07;
	v34 =	vld [tilespmem:s28+$0x30]  }
0x29a: {  	vm9 =	vne.s32 v9, v22;
	v31 =	vmax.f32 v31, $9.999999970e-07;
	v41 =	vld [tilespmem:s17+$0xFFFFFFC0];
	(erf) = vpow2.f32 v24  }
0x29b: {  	v15 =	vperm.xlane v5, v1;
	vm8 =	vmor vm7, vm0;
	v24 =	vld [tilespmem:s22+$0x10];
	(erf) = vrcp.f32 v42;
	v28 =	vpop (erf)  }
0x29c: {  	vm6 =	vmor vm9, vm0;
	v33 =	vmax.f32 v33, $9.999999970e-07;
	v42 =	vld [tilespmem:s28+$0x10];
	(erf) = vpow2.f32 v39  }
0x29d: {  	v30 =	vmul.f32 v33, v30;
	v32 =	vmax.f32 v32, $9.999999970e-07;
	v33 =	vld [tilespmem:s20+$0x30];
	(erf) = vpow2.f32 v20;
	s20 =	smov.u32 s19  }
0x29e: {  	vm5 =	vmor vm2, vm0;
	v32 =	vmul.f32 v32, v37;
	v39 =	vld [tilespmem:s22+$0xFFFFFFC0];
	(erf) = vrcp.f32 v31  }
0x29f: {  	v23 =	vmax.f32 v23, $9.999999970e-07;
	v43 =	vmax.f32 v26, $9.999999970e-07;
	v26 =	vld [tilespmem:s22+$0xFFFFFFF0];
	(erf) = vpow2.f32 v25;
	(xrf2) =	vadd.scan.msk.f32 $0xffff, v21  }
0x2a0: {  	v10 =	vmul.f32 $5.000000000e-01, v10;
	v21 =	vmul.f32 v43, v41;
	v31 =	vld [tilespmem:s14+$0xFFFFFFE0];
	v37 =	vmax.f32 v24, $9.999999970e-07;
	v20 =	vpop (erf)  }
0x2a1: {  	v24 =	vmax.f32 v42, $9.999999970e-07;
	(erf) = vrcp.f32 v23;
	v25 =	vmul.f32 v20, v12;
	v20 =	vld [tilespmem:s18+$0x30];
	v41, _, _ =	vpop (xrf2)  }
0x2a2: {  	v12 =	vmax.f32 v19, $9.999999970e-07;
	v23 =	vmul.f32 v24, v38;
	[tilespmem:v9+s10+$0x0] =	vst.idx.add.f32.msk vm6, v41;
	v24 =	vmul.f32 $5.000000000e-01, v33  }
0x2a3: {  	v33 =	vmul.f32 v12, v36;
	vm6 =	vmor vm1, vm0;
	v19 =	vmax.f32 v39, $9.999999970e-07;
	v12 =	vld [tilespmem:s19+$0xFFFFFFE0];
	(xrf2) =	vadd.scan.msk.f32 $0xffff, v25;
	v36 =	vpop (erf)  }
0x2a4: {  	v8 =	vmul.f32 v8, v8;
	v25 =	vmul.f32 v40, v11;
	v26 =	vmax.f32 v26, $9.999999970e-07;
	v38 =	vpop (erf);
	v39 =	vld [tilespmem:s18+$0xFFFFFFF0];
	s18 =	smov.u32 s14  }
0x2a5: {  	v34 =	vmax.f32 v34, $9.999999970e-07;
	v35 =	vmul.f32 v35, v24;
	v32 =	vmul.f32 v32, v38;
	v40 =	vld [tilespmem:s22+$0x30];
	v9 =	vpop (erf)  }
0x2a6: {  	v42 =	vsub.f32 $0.0e+00, v41;
	v11 =	vld [tilespmem:s19+$0x10];
	(erf) = vrcp.f32 v19;
	v9 =	vmul.f32 v9, v27;
	v27 =	vpop (erf)  }
0x2a7: {  	v8 =	vmul.f32 v8, v10;
	v24 =	vld [tilespmem:s14+$0x0];
	v41 =	vpop (erf);
	v27 =	vmul.f32 v27, v25  }
0x2a8: {  	v33 =	vmul.f32 v33, v41;
	v25 =	vmul.f32 v41, v41;
	[tilespmem:v22+s10+$0x0] =	vst.idx.add.f32.msk vm9, v42;
	v19 =	vpop (erf);
	(xrf2) =	vadd.scan.msk.f32 $0xffff, v9  }
0x2a9: {  	v28 =	vmul.f32 v28, v8;
	v10 =	vld [tilespmem:s19+$0x0];
	v22 =	vperm.xlane v39, v1;
	v41, _, _ =	vpop (xrf2)  }
0x2aa: {  	v17 =	vmul.f32 v19, v17;
	v9 =	vld [tilespmem:s14+$0x20];
	v8 =	vmax.f32 v40, $9.999999970e-07;
	v40 =	vpop (erf);
	(erf) = vrcp.f32 v37  }
0x2ab: {  	v19 =	vmax.f32 v29, $9.999999970e-07;
	v29 =	vmul.f32 v32, v32;
	v37 =	vld [tilespmem:s14+$0xFFFFFFD0];
	(erf) = vrcp.f32 v26;
	(xrf2) =	vadd.scan.msk.f32 $0xffff, v27  }
0x2ac: {  	v27 =	vmul.f32 v30, v40;
	vm9 =	vne.s32 v39, v22;
	v30 =	vmul.f32 v36, v35;
	v26 =	vld [tilespmem:s17+$0xFFFFFFE0]  }
0x2ad: {  	v43 =	vmul.f32 v33, v33;
	vm10 =	vmor vm9, vm0;
	v36 =	vld [tilespmem:s28+$0xFFFFFFE0];
	(erf) = vrcp.f32 v8;
	v8, _, _ =	vpop (xrf2)  }
0x2ae: {  	v29 =	vmul.f32 v29, v32;
	v42 =	vmul.f32 v27, v27;
	[tilespmem:v6+s10+$0x0] =	vst.idx.add.f32.msk vm8, v8;
	v44 =	vsub.f32 $0.0e+00, v8  }
0x2af: {  	v32 =	vmul.f32 v43, v33;
	v8 =	vmul.f32 v40, v40;
	vm8 =	vne.s32 v5, v15;
	v33 =	vld [tilespmem:s19+$0x20];
	v35 =	vpop (erf);
	(xrf2) =	vadd.scan.msk.f32 $0xffff, v17  }
0x2b0: {  	v40 =	vperm.xlane v20, v1;
	v17 =	vmul.f32 v42, v27;
	v27 =	vsub.f32 $0.0e+00, v29;
	[tilespmem:v18+s10+$0x0] =	vst.idx.add.f32.msk vm7, v44  }
0x2b1: {  	v6 =	vmovc v31;
	v29 =	vsub.f32 $0.0e+00, v32;
	v32 =	vmul.f32 v38, v38;
	v18 =	vld [tilespmem:s19+$0xFFFFFFD0];
	(erf) = vrcp.f32 v19  }
0x2b2: {  	vm7 =	vmor vm8, vm0;
	v43 =	vsub.f32 $0.0e+00, v17;
	v31 =	vld [tilespmem:s14+$0xFFFFFFC0];
	v19 =	vmax.f32 v36, $9.999999970e-07;
	v36, _, _ =	vpop (xrf2);
	(xrf2) =	vadd.scan.msk.f32 $0xffff, v28  }
0x2b3: {  	v27 =	vmul.f32 $1.442695020e+00, v27;
	v28 =	vmul.f32 $1.442695020e+00, v29;
	v29 =	vld [tilespmem:s17+$0x30];
	v38 =	vpop (erf);
	v44 =	vsub.f32 $0.0e+00, v36  }
0x2b4: {  	v26 =	vmul.f32 v19, v26;
	v19 =	vmul.f32 $1.442695020e+00, v43;
	v43 =	vsub.f32 $0.0e+00, v41;
	v17 =	vpop (erf);
	[tilespmem:v39+s10+$0x0] =	vst.idx.add.f32.msk vm10, v36  }
0x2b5: {  	v36 =	vmul.f32 v35, v35;
	v39 =	vmul.f32 v16, v17;
	[tilespmem:v22+s10+$0x0] =	vst.idx.add.f32.msk vm9, v44;
	v42, _, _ =	vpop (xrf2);
	(xrf2) =	vadd.scan.msk.f32 $0xffff, v30  }
0x2b6: {  	v16 =	vmul.f32 v17, v17;
	v30 =	vmul.f32 v32, v32;
	v22 =	vpop (erf);
	[tilespmem:v4+s10+$0x0] =	vst.idx.add.f32.msk vm4, v41;
	v4 =	vmov v37  }
0x2b7: {  	v17 =	vmul.f32 v36, v36;
	vm4 =	vne.s32 v20, v40;
	v32 =	vld [tilespmem:s14+$0x10];
	(erf) = vpow2.f32 v27  }
0x2b8: {  	v36 =	vmul.f32 $5.000000000e-01, v18;
	(erf) = vpow2.f32 v28;
	[tilespmem:v14+s10+$0x0] =	vst.idx.add.f32.msk vm3, v43;
	vm3 =	vmor vm4, vm0  }
0x2b9: {  	v18 =	vmul.f32 v38, v38;
	v41 =	vsub.f32 $0.0e+00, v42;
	v34 =	vmul.f32 v34, v29;
	[tilespmem:v7+s10+$0x0] =	vst.idx.add.f32.msk vm5, v42;
	v14, _, _ =	vpop (xrf2)  }
0x2ba: {  	v23 =	vmul.f32 v23, v38;
	v37 =	vperm.xlane v24, v1;
	v27 =	vpop (erf);
	[tilespmem:v5+s10+$0x0] =	vst.idx.add.f32.msk vm7, v14;
	v14 =	vsub.f32 $0.0e+00, v14  }
0x2bb: {  	v29 =	vmul.f32 v39, v39;
	v28 =	vmul.f32 $5.000000000e-01, v33;
	v5 =	vmov v31;
	[tilespmem:v13+s10+$0x0] =	vst.idx.add.f32.msk vm2, v41  }
0x2bc: {  	v31 =	vmul.f32 v21, v35;
	v21 =	vmul.f32 v23, v23;
	[tilespmem:v15+s10+$0x0] =	vst.idx.add.f32.msk vm8, v14;
	v15, _, _ =	vpop (xrf2);
	v7 =	vmov v32  }
0x2bd: {  	v26 =	vmul.f32 v26, v27;
	v14 =	vmul.f32 v27, v27;
	v13 =	vld [tilespmem:s19+$0xFFFFFFC0]  }
.Ltmp4:
0x2be: {  	v28 =	vmul.f32 v30, v28;
	v38 =	vmul.f32 v21, v23;
	v23 =	vsub.f32 $0.0e+00, v15;
	[tilespmem:v2+s10+$0x0] =	vst.idx.add.f32.msk vm6, v15;
	(pc) =	sbr.rel @p0 .LBB2_11-.Ltmp4, $4  }
0x2bf: {  	v32 =	vmul.f32 v31, v31;
	v15 =	vmul.f32 v29, v39;
	v2 =	vmov v24;
	v27 =	vld [tilespmem:s19+$0xFFFFFFF0];
	v33, _, _ =	vpop (xrf2)  }
0x2c0: {  	v35 =	vmul.f32 v25, v25;
	v30 =	vmul.f32 v26, v26;
	v29 =	vpop (erf);
	[tilespmem:v20+s10+$0x0] =	vst.idx.add.f32.msk vm3, v33;
	v33 =	vsub.f32 $0.0e+00, v33  }
0x2c1: {  	v24 =	vmul.f32 v34, v22;
	v15 =	vsub.f32 $0.0e+00, v15;
	v20 =	vsub.f32 $0.0e+00, v38;
	v21 =	vpop (erf);
	[tilespmem:v3+s10+$0x0] =	vst.idx.add.f32.msk vm1, v23  }
0x2c2: {  	s22 =	sadd.s32 $0x80, s22;
	s28 =	sadd.s32 $0x80, s28;
	s14 =	sadd.s32 $0x80, s14;
	v25 =	vmul.f32 v32, v31;
	v23 =	vmul.f32 v35, v36;
	v3 =	vmov v37;
	[tilespmem:v40+s10+$0x0] =	vst.idx.add.f32.msk vm4, v33  }
0x2c3: {  	v31 =	vmul.f32 v24, v24;
	v26 =	vmul.f32 v30, v26;
	_ =	sdelay $0x1  }
0x2c4: {  	v24 =	vmul.f32 v31, v24;
	v26 =	vsub.f32 $0.0e+00, v26  }
0x2c5: {  	(erf) = vpow2.f32 v19  }
0x2c6: {  	v24 =	vsub.f32 $0.0e+00, v24;
	v26 =	vmul.f32 $1.442695020e+00, v26  }
0x2c7: {  	v15 =	vmul.f32 $1.442695020e+00, v15  }
0x2c8: {  	v24 =	vmul.f32 $1.442695020e+00, v24;
	(erf) = vpow2.f32 v26  }
0x2c9: {  	v29 =	vmul.f32 v29, v28;
	v12 =	vmul.f32 $5.000000000e-01, v12  }
0x2ca: {  	v20 =	vmul.f32 $1.442695020e+00, v20;
	v30 =	vsub.f32 $0.0e+00, v25;
	(erf) = vpow2.f32 v24  }
0x2cb: {  	v14 =	vmul.f32 v14, v14;
	(erf) = vpow2.f32 v15  }
0x2cc: {  	v19 =	vmul.f32 $1.442695020e+00, v30;
	(erf) = vpow2.f32 v20  }
0x2cd: {  	v16 =	vmul.f32 v16, v16;
	v36 =	vmul.f32 v22, v22  }
0x2ce: {  	v13 =	vmul.f32 $5.000000000e-01, v13;
	v32 =	vpop (erf);
	(erf) = vpow2.f32 v19  }
0x2cf: {  	v38 =	vperm.xlane v9, v1;
	v33 =	vmul.f32 v21, v23  }
0x2d0: {  	v11 =	vmul.f32 $5.000000000e-01, v11;
	v12 =	vmul.f32 v14, v12;
	(xrf2) =	vadd.scan.msk.f32 $0xffff, v29  }
0x2d1: {  	v18 =	vmul.f32 v18, v18;
	v31 =	vmul.f32 $5.000000000e-01, v27;
	(xrf2) =	vadd.scan.msk.f32 $0xffff, v33;
	v34 =	vpop (erf)  }
0x2d2: {  	v41 =	vperm.xlane v6, v1;
	v12 =	vmul.f32 v34, v12  }
0x2d3: {  	v40 =	vld [tilespmem:s20+$0x30];
	v10 =	vmul.f32 $5.000000000e-01, v10;
	v16 =	vmul.f32 v16, v31;
	v35 =	vpop (erf)  }
0x2d4: {  	v39 =	vld [tilespmem:s18+$0xFFFFFFF0];
	v8 =	vmul.f32 v8, v8;
	v11 =	vmul.f32 v18, v11;
	v37 =	vpop (erf);
	(xrf2) =	vadd.scan.msk.f32 $0xffff, v12  }
0x2d5: {  	v45 =	vperm.xlane v4, v1;
	vm2 =	vne.s32 v9, v38;
	v16 =	vmul.f32 v37, v16;
	v42 =	vpop (erf)  }
0x2d6: {  	v13 =	vmul.f32 v17, v13;
	vm3 =	vmor vm2, vm0;
	v11 =	vmul.f32 v42, v11  }
0x2d7: {  	v8 =	vmul.f32 v8, v10;
	vm7 =	vne.s32 v4, v45;
	v20 =	vmul.f32 v36, v36;
	v43 =	vpop (erf);
	(xrf2) =	vadd.scan.msk.f32 $0xffff, v16  }
0x2d8: {  	vm8 =	vmor vm7, vm0;
	v19 =	vmul.f32 $5.000000000e-01, v40;
	v13 =	vmul.f32 v43, v13;
	(xrf2) =	vadd.scan.msk.f32 $0xffff, v11  }
0x2d9: {  	vm1 =	vne.s32 v6, v41;
	v44 =	vperm.xlane v39, v1;
	v8 =	vmul.f32 v32, v8  }
0x2da: {  	v46 =	vperm.xlane v7, v1;
	vm4 =	vmor vm1, vm0;
	v47, _, _ =	vpop (xrf2);
	v19 =	vmul.f32 v20, v19;
	(xrf2) =	vadd.scan.msk.f32 $0xffff, v13  }
0x2db: {  	v49 =	vld [tilespmem:s18+$0x30];
	vm5 =	vne.s32 v39, v44;
	v48, _, _ =	vpop (xrf2);
	v50 =	vsub.f32 $0.0e+00, v47;
	(xrf2) =	vadd.scan.msk.f32 $0xffff, v8  }
0x2dc: {  	vm6 =	vmor vm5, vm0;
	[tilespmem:v9+s10+$0x0] =	vst.idx.add.f32.msk vm3, v47;
	vm3 =	vne.s32 v7, v46;
	v52 =	vmul.f32 v35, v19  }
0x2dd: {  	v58 =	vsub.f32 $0.0e+00, v48;
	[tilespmem:v38+s10+$0x0] =	vst.idx.add.f32.msk vm2, v50;
	vm2 =	vmor vm3, vm0  }
0x2de: {  	v51 =	vperm.xlane v5, v1;
	[tilespmem:v4+s10+$0x0] =	vst.idx.add.f32.msk vm8, v48;
	v53, _, _ =	vpop (xrf2);
	(xrf2) =	vadd.scan.msk.f32 $0xffff, v52  }
0x2df: {  	vm12 =	vne.s32 v2, v3;
	[tilespmem:v45+s10+$0x0] =	vst.idx.add.f32.msk vm7, v58;
	v54 =	vsub.f32 $0.0e+00, v53  }
0x2e0: {  	vm13 =	vmor vm12, vm0;
	[tilespmem:v6+s10+$0x0] =	vst.idx.add.f32.msk vm4, v53;
	vm4 =	vne.s32 v5, v51  }
0x2e1: {  	v57 =	vperm.xlane v49, v1;
	v55, _, _ =	vpop (xrf2);
	[tilespmem:v41+s10+$0x0] =	vst.idx.add.f32.msk vm1, v54;
	vm1 =	vmor vm4, vm0  }
0x2e2: {  	v56 =	vsub.f32 $0.0e+00, v55;
	[tilespmem:v39+s10+$0x0] =	vst.idx.add.f32.msk vm6, v55;
	v59, _, _ =	vpop (xrf2)  }
0x2e3: {  	vm14 =	vne.s32 v49, v57;
	[tilespmem:v7+s10+$0x0] =	vst.idx.add.f32.msk vm2, v59;
	v4 =	vsub.f32 $0.0e+00, v59  }
0x2e4: {  	vm15 =	vmor vm14, vm0;
	v60, _, _ =	vpop (xrf2);
	[tilespmem:v44+s10+$0x0] =	vst.idx.add.f32.msk vm5, v56  }
0x2e5: {  	s16 =	sadd.s32 $0x1, s16;
	v62, _, _ =	vpop (xrf2);
	[tilespmem:v46+s10+$0x0] =	vst.idx.add.f32.msk vm3, v4  }
0x2e6: {  	p0 =	sne.s32 s16, $0xA;
	[tilespmem:v2+s10+$0x0] =	vst.idx.add.f32.msk vm13, v62;
	v2 =	vsub.f32 $0.0e+00, v62  }
.Ltmp5:
0x2e7: {  	v61 =	vsub.f32 $0.0e+00, v60;
	[tilespmem:v5+s10+$0x0] =	vst.idx.add.f32.msk vm1, v60;
	(pc) =	sbr.rel @p0 .LBB2_4-.Ltmp5, $4  }
0x2e8: {  	[tilespmem:v3+s10+$0x0] =	vst.idx.add.f32.msk vm12, v2;
	v63, _, _ =	vpop (xrf2)  }
0x2e9: {  	[tilespmem:v51+s10+$0x0] =	vst.idx.add.f32.msk vm4, v61;
	v4 =	vsub.f32 $0.0e+00, v63  }
0x2ea: {  	[tilespmem:v49+s10+$0x0] =	vst.idx.add.f32.msk vm15, v63  }
0x2eb: {  	[tilespmem:v57+s10+$0x0] =	vst.idx.add.f32.msk vm14, v4  }
0x2ec: {  	s14 =	rddreg [dreg:$0x16]  }
0x2ed: {  	s16 =	simm.s32 $0x80;
	s17 =	simm.s32 $0x400;
	s28 =	simm.s32 $0x5  }
0x2ee: {  	[hbm4b:s14+s16] =	stream.strided.scatter [tilespmem:s10], [sflag:$0x5], $0x1000, s17, s16, $0x38;
	[tilespmem:$0x1A000] =	vst v63  }
0x2ef: {  	_ =	swait.ge [sflag:s28], $0x1000  }
0x2f0: {  	s15 =	sadd.s32 $0x1, s15;
	s29 =	rddreg [dreg:$0x17]  }
0x2f1: {  	p0 =	sne.s32 s15, s29  }
.Ltmp6:
0x2f2: {  	_ = 	snop;
	(pc) =	sbr.rel @p0 .LBB2_1-.Ltmp6, $3  }
0x2f3: {  	_ =	sdelay $0x1  }
0x2f4: {  	[sflag:s28] =	ssyncset.done $0x0  }
0x2f5: {  	[sflag:s28] =	ssyncadd.s32 $0xFFFFF000  }
0x2f6: {  	_ =	sfence.sel $0x180000  }
0x2f7: {  	[bflag:$0x0] =	sbarrier.arrive $0xFFFF  }
0x2f8: {  	_ =	strace $0x90000047  }
0x2f9: {  	s0 =	stileid.u32;
	[bflag:$0x2] =	sbarrier.arrive $0xFFFF  }
0x2fa: {  	p0 =	sne.s32 s0, $0x0;
	s0 =	rddreg [dreg:$0x6]  }
0x2fb: {  	s0 =	sadd.s32 @!p0 $0x100000, s0  }
0x2fc: {  	[sflag:s0] =	ssyncadd.tile.s32 @!p0 $0x1;
	_ =	shalt  }
.Lfunc_end2:
_tile_overlayer_lowered:
.L_overlay_start_2:
0x2fd: {  	(tag) =	ssettag $0x2  }
0x2fe: {  	s0 =	rddreg [dreg:$0x0];
	s2 =	stileid.u32  }
0x2ff: {  	s1 =	rddreg [dreg:$0x1];
	p0 =	sne.s32 s2, $0x0  }
0x300: {  	s3 =	rddreg [dreg:$0x2];
	[bflag:$0x3] =	sbarrier.arrive $0xFFFF;
	s2 =	simm.s32 @!p0 $0x1C05  }
0x301: {  	[timem:s3], [sflag:s2] =	dma.local @!p0 [hbm:s0], s1  }
0x302: {  	s0 =	simm.s32 @!p0 $0x5  }
0x303: {  	_ =	swait.ge @!p0 [sflag:s0], s1  }
0x304: {  	s1 =	ssub.s32 @!p0 $0x0, s1;
	[sflag:s0] =	ssyncset.done @!p0 $0x0  }
0x305: {  	[sflag:s0] =	ssyncadd.s32 @!p0 s1  }
0x306: {  	[bflag:$0x3] =	sbarrier.arrive $0xFFFF  }
0x307: {  	_ =	shalt  }

</sc_bundles>
